<compile_context>
chip_gen: v7x
topology: tpu7x:2x2x1
jax: 0.10.2.dev20260603
libtpu: 0.0.44.dev20260713+nightly
codegen_flags: <defaults>
</compile_context>

<pallas_src>
import functools

import jax
import jax.numpy as jnp
from jax import lax
from jax.experimental import pallas as pl
from jax.experimental.pallas import tpu as pltpu
from jax.experimental.pallas import tpu_sc as plsc

_NUM_ENT = 1000000
_ITEM_IN_KG = 400000
_DIM = 32
_NN = 8


def _worker_count():
    info = plsc.get_sparse_core_info()
    return info.num_cores, info.num_subcores


@functools.lru_cache(maxsize=None)
def _make_sc_gather(n, chunk, n_gathers, widths, dtypes, idx_slots, n_idx):
    nc, ns = _worker_count()
    nw = nc * ns
    per_w = n // nw
    n_chunks = per_w // chunk
    assert per_w % chunk == 0 and n % nw == 0

    mesh = plsc.VectorSubcoreMesh(core_axis_name="c", subcore_axis_name="s")
    out_type = [jax.ShapeDtypeStruct((n, w), jnp.dtype(dt))
                for w, dt in zip(widths, dtypes)]
    scratch = ([pltpu.VMEM((chunk,), jnp.int32) for _ in range(n_idx)]
               + [pltpu.VMEM((chunk, w), jnp.dtype(dt))
                  for w, dt in zip(widths, dtypes)]
               + [pltpu.SemaphoreType.DMA])

    @functools.partial(
        pl.kernel, out_type=out_type, mesh=mesh, scratch_types=scratch,
        compiler_params=pltpu.CompilerParams(use_tc_tiling_on_sc=False))
    def sc_gather(*refs):
        idx_hbm = refs[:n_idx]
        tables = refs[n_idx:n_idx + n_gathers]
        outs = refs[n_idx + n_gathers:n_idx + 2 * n_gathers]
        idx_v = refs[n_idx + 2 * n_gathers:2 * n_idx + 2 * n_gathers]
        bufs = refs[2 * n_idx + 2 * n_gathers:-1]
        sem = refs[-1]
        wid = lax.axis_index("s") * nc + lax.axis_index("c")
        base = wid * per_w

        def body(i, carry):
            off = base + i * chunk
            for s in range(n_idx):
                pltpu.sync_copy(idx_hbm[s].at[pl.ds(off, chunk)], idx_v[s])
            for g in range(n_gathers):
                pltpu.async_copy(tables[g].at[idx_v[idx_slots[g]]], bufs[g],
                                 sem).wait()
                pltpu.sync_copy(bufs[g], outs[g].at[pl.ds(off, chunk)])
            return carry

        lax.fori_loop(0, n_chunks, body, 0)

    return sc_gather


def _deinterleave(x):
    row = lax.broadcasted_iota(jnp.int32, (_DIM, _DIM), 0)
    col = lax.broadcasted_iota(jnp.int32, (_DIM, _DIM), 1)
    pcol = jnp.where(col < 16, 2 * col, 2 * (col - 16) + 1)
    pm = jnp.where(row == pcol, 1.0, 0.0)
    return jnp.dot(x, pm, preferred_element_type=jnp.float32)


@functools.lru_cache(maxsize=None)
def _make_tc_dense(batch, bb):
    grid = (batch // bb,)

    def body(ue_ref, ev0_ref, ev1_ref, ev2_ref, r0_ref, r1_ref, rel_ref,
             w_ref, wp_ref, b_ref, out_ref):
        ue = ue_ref[...]
        rel = rel_ref[...]
        wm = w_ref[...]
        wp = wp_ref[...]
        bias = b_ref[...]
        p = jnp.dot(ue, rel.T, preferred_element_type=jnp.float32)

        nrel = rel.shape[0]
        r0 = r0_ref[...]
        r1 = r1_ref[...]
        s0 = jnp.zeros((bb, _NN), jnp.float32)
        s1 = jnp.zeros((bb, 64), jnp.float32)
        for k in range(nrel):
            pk = p[:, k][:, None]
            s0 = s0 + jnp.where(r0 == k, pk, 0.0)
            s1 = s1 + jnp.where(r1 == k, pk, 0.0)
        a0 = jax.nn.softmax(s0, axis=-1)
        a1 = jax.nn.softmax(s1.reshape(bb, 8, 8), axis=-1)

        ev1 = _deinterleave(ev1_ref[...].reshape(bb * 8, _DIM))
        ev0 = _deinterleave(ev0_ref[...])

        pk2 = ev2_ref[...]
        ev2e = lax.bitcast_convert_type(pk2 << 16, jnp.float32)
        ev2o = lax.bitcast_convert_type(
            pk2 & jnp.int32(-65536), jnp.float32)
        lane = lax.broadcasted_iota(jnp.int32, (_NN, 128), 1) // 16
        nbr = lax.broadcasted_iota(jnp.int32, (_NN, 128), 0)
        expand = jnp.where(lane == nbr, 1.0, 0.0)
        w128 = jnp.dot(a1.reshape(bb * 8, _NN), expand,
                       preferred_element_type=jnp.float32)

        def red8(t):
            t = t + jnp.concatenate([t[:, 64:], t[:, :64]], axis=1)
            t = t + jnp.concatenate([t[:, 32:], t[:, :32]], axis=1)
            t = t + jnp.concatenate([t[:, 16:], t[:, :16]], axis=1)
            return t[:, :16]

        agg1 = jnp.concatenate([red8(ev2e * w128), red8(ev2o * w128)],
                               axis=-1)
        o1 = jax.nn.sigmoid(
            jnp.dot(ev1 + agg1, wp.T, preferred_element_type=jnp.float32)
            + bias)
        agg0 = jnp.sum(a0[..., None] * ev1.reshape(bb, 8, _DIM), axis=1)
        o0 = jax.nn.sigmoid(
            jnp.dot(ev0 + agg0, wp.T, preferred_element_type=jnp.float32)
            + bias)
        aggf = jnp.sum(a0[..., None] * o1.reshape(bb, 8, _DIM), axis=1)
        of = jnp.tanh(jnp.dot(o0 + aggf, wm.T,
                              preferred_element_type=jnp.float32) + bias)
        out_ref[...] = jax.nn.sigmoid(jnp.sum(ue * of, axis=-1))

    return pl.pallas_call(
        body,
        grid=grid,
        in_specs=[
            pl.BlockSpec((bb, _DIM), lambda i: (i, 0)),
            pl.BlockSpec((bb, _DIM), lambda i: (i, 0)),
            pl.BlockSpec((bb * 8, _DIM), lambda i: (i, 0)),
            pl.BlockSpec((bb * 8, 128), lambda i: (i, 0)),
            pl.BlockSpec((bb, _NN), lambda i: (i, 0)),
            pl.BlockSpec((bb, 64), lambda i: (i, 0)),
            pl.BlockSpec((33, _DIM), lambda i: (0, 0)),
            pl.BlockSpec((_DIM, _DIM), lambda i: (0, 0)),
            pl.BlockSpec((_DIM, _DIM), lambda i: (0, 0)),
            pl.BlockSpec((1, _DIM), lambda i: (0, 0)),
        ],
        out_specs=pl.BlockSpec((bb,), lambda i: (i,)),
        out_shape=jax.ShapeDtypeStruct((batch,), jnp.float32),
    )


def kernel(u, v, adj_ent, adj_rel, item_emb, ent_emb, usr_emb, rel_emb, W, b):
    batch = u.shape[0]
    e0 = jnp.where(v >= _ITEM_IN_KG, _NUM_ENT, v).astype(jnp.int32)
    ne = ent_emb.shape[0]
    ent_pk = lax.bitcast_convert_type(
        ent_emb.astype(jnp.bfloat16).reshape(ne, _DIM // 2, 2), jnp.int32)

    g1 = _make_sc_gather(batch, min(512, batch // 32), 4,
                         (_NN, _NN, _DIM, _DIM),
                         ("int32", "int32", "float32", "float32"),
                         (0, 0, 1, 2), 3)
    e1, r0, ue, ev0 = g1(e0, u, v, adj_ent, adj_rel, usr_emb, item_emb)

    e1f = e1.reshape(-1)
    g2 = _make_sc_gather(batch * _NN, 1024, 3,
                         (_NN, _NN, _DIM),
                         ("int32", "int32", "float32"),
                         (0, 0, 0), 1)
    e2, r1, ev1 = g2(e1f, adj_ent, adj_rel, ent_emb)

    e2f = e2.reshape(-1)
    g3 = _make_sc_gather(batch * _NN * _NN, 2048, 1,
                         (_DIM // 2,), ("int32",), (0,), 1)
    (ev2,) = g3(e2f, ent_pk)

    perm = [2 * i for i in range(16)] + [2 * i + 1 for i in range(16)]
    wp = W[:, jnp.array(perm, dtype=jnp.int32)]
    dense = _make_tc_dense(batch, 256)
    return dense(ue, ev0, ev1, ev2.reshape(batch * 8, 128), r0,
                 r1.reshape(batch, 64), rel_emb, W, wp, b.reshape(1, _DIM))

# --- scband reference (transcript-rebuilt; emitter-appended) ---
"""Pipeline reference for scband-kgcn-4827543240786 (READ-ONLY COPY).

The authoritative reference and input builder live on the scoring server;
editing this copy changes nothing except your own understanding.
"""

import jax, jax.numpy as jnp
import numpy as np

NUM_USER = 100000
NUM_ENT = 1000000
NUM_REL = 32
NUM_ITEM = 500000
ITEM_IN_KG = 400000
DIM = 32
N_NEIGHBOR = 8
N_ITER = 2
BATCH = 16384


def setup_inputs(seed: int = 0) -> dict:
    key = jax.random.key(seed)
    ks = jax.random.split(key, 10)
    u = jax.random.randint(ks[0], (BATCH,), 0, NUM_USER, dtype=jnp.int32)
    v = jax.random.randint(ks[1], (BATCH,), 0, NUM_ITEM, dtype=jnp.int32)
    # fixed-fanout adjacency tables built by _gen_adj in the torch module
    adj_ent = jax.random.randint(ks[2], (NUM_ENT + 1, N_NEIGHBOR), 0, NUM_ENT, dtype=jnp.int32)
    adj_ent = adj_ent.at[NUM_ENT].set(NUM_ENT)
    adj_rel = jax.random.randint(ks[3], (NUM_ENT + 1, N_NEIGHBOR), 0, NUM_REL, dtype=jnp.int32)
    adj_rel = adj_rel.at[NUM_ENT].set(NUM_REL)
    # embedding tables (np.random.rand -> uniform[0,1) in the torch module)
    item_emb = jax.random.uniform(ks[4], (NUM_ITEM, DIM), dtype=jnp.float32)
    ent_emb = jax.random.uniform(ks[5], (NUM_ENT + 1, DIM), dtype=jnp.float32)
    ent_emb = ent_emb.at[:ITEM_IN_KG].set(item_emb[:ITEM_IN_KG])
    usr_emb = jax.random.normal(ks[6], (NUM_USER, DIM), dtype=jnp.float32)
    rel_emb = jax.random.normal(ks[7], (NUM_REL + 1, DIM), dtype=jnp.float32)
    # sum-aggregator Linear(dim, dim)
    W = jax.random.normal(ks[8], (DIM, DIM), dtype=jnp.float32) * 0.1
    b = jnp.zeros((DIM,), dtype=jnp.float32)
    return {"u": u, "v": v, "adj_ent": adj_ent, "adj_rel": adj_rel,
            "item_emb": item_emb, "ent_emb": ent_emb, "usr_emb": usr_emb,
            "rel_emb": rel_emb, "W": W, "b": b}


def reference(u, v, adj_ent, adj_rel, item_emb, ent_emb, usr_emb, rel_emb, W, b):
    B = u.shape[0]
    user_emb = usr_emb[u]  # [B, DIM]
    v2 = v.reshape(B, 1)
    # items not present in the KG are remapped to the padding entity for neighbor lookup
    e0 = jnp.where(v2 >= ITEM_IN_KG, NUM_ENT, v2)
    entities = [e0]
    relations = []
    for h in range(N_ITER):
        ne = adj_ent[entities[h]].reshape(B, -1)
        nr = adj_rel[entities[h]].reshape(B, -1)
        entities.append(ne)
        relations.append(nr)
    # entities[0][:] = v  (item embedding is looked up with the original ids)
    entities[0] = v2
    entity_vectors = [item_emb[entities[0]]]
    for i in range(1, N_ITER + 1):
        entity_vectors.append(ent_emb[entities[i]])
    relation_vectors = [rel_emb[r] for r in relations]
    for i in range(N_ITER):
        act = jnp.tanh if i == N_ITER - 1 else jax.nn.sigmoid
        nxt = []
        for hop in range(N_ITER - i):
            sv = entity_vectors[hop]  # [B, m, DIM]
            nv = entity_vectors[hop + 1].reshape(B, -1, N_NEIGHBOR, DIM)
            nr = relation_vectors[hop].reshape(B, -1, N_NEIGHBOR, DIM)
            ue = user_emb.reshape(B, 1, 1, DIM)
            scores = jax.nn.softmax(jnp.sum(ue * nr, axis=-1), axis=-1)[..., None]
            agg = jnp.sum(scores * nv, axis=2)  # [B, m, DIM]
            out = (sv + agg).reshape(-1, DIM) @ W.T + b  # sum aggregator
            nxt.append(act(out.reshape(B, -1, DIM)))
        entity_vectors = nxt
    item_vec = entity_vectors[0].reshape(B, DIM)
    return jax.nn.sigmoid(jnp.sum(user_emb * item_vec, axis=1))

if __name__ == "__main__":
    import jax
    _d = setup_inputs()
    print(jax.jit(kernel)(*tuple(_d.values())))

</pallas_src>

<mosaic_0001>
#map = affine_map<(d0, d1) -> (0)>
#map1 = affine_map<(d0, d1) -> (0, 0)>
module attributes {stable_mosaic.version = 14 : i64} {
  func.func @sc_gather(%arg0: i32, %arg1: i32, %arg2: memref<131072xi32, #tpu.memory_space<hbm>>, %arg3: memref<1000001x8xi32, #tpu.memory_space<hbm>>, %arg4: memref<1000001x8xi32, #tpu.memory_space<hbm>>, %arg5: memref<1000001x32xf32, #tpu.memory_space<hbm>>, %arg6: memref<131072x8xi32, #tpu.memory_space<hbm>>, %arg7: memref<131072x8xi32, #tpu.memory_space<hbm>>, %arg8: memref<131072x32xf32, #tpu.memory_space<hbm>>, %arg9: memref<1024xi32, #tpu.memory_space<vmem>>, %arg10: memref<1024x8xi32, #tpu.memory_space<vmem>>, %arg11: memref<1024x8xi32, #tpu.memory_space<vmem>>, %arg12: memref<1024x32xf32, #tpu.memory_space<vmem>>, %arg13: memref<!tpu.dma_semaphore, #tpu.memory_space<semaphore_mem>>) attributes {dimension_semantics = [#tpu.dimension_semantics<core_parallel>, #tpu.dimension_semantics<subcore_parallel>], iteration_bounds = array<i64: 2, 16>, scalar_prefetch = 0 : i64, scratch_operands = 5 : i64, tpu.core_type = #tpu.core_type<sc_vector_subcore>, window_params = [{transform_indices = #map}, {transform_indices = #map1}, {transform_indices = #map1}, {transform_indices = #map1}, {transform_indices = #map1}, {transform_indices = #map1}, {transform_indices = #map1}]} {
    %mul3A = arith.constant 2 : i32
    %mul3A_0 = arith.muli %arg1, %mul3A : i32
    %add3A = arith.addi %mul3A_0, %arg0 : i32
    %mul3A_1 = arith.constant 4096 : i32
    %mul3A_2 = arith.muli %add3A, %mul3A_1 : i32
    %scan3A = arith.constant 0 : i32
    %scan3A_3 = arith.constant 0 : i32
    %scan3A_4 = arith.constant 4 : i32
    %scan3A_5 = arith.addi %scan3A_3, %scan3A_4 : i32
    %scan3A_6 = arith.constant 1 : i32
    scf.for %scan3A_8 = %scan3A_3 to %scan3A_5 step %scan3A_6  : i32 {
      %mul3A_9 = arith.constant 1024 : i32
      %mul3A_10 = arith.muli %scan3A_8, %mul3A_9 : i32
      %add3A_11 = arith.addi %mul3A_2, %mul3A_10 : i32
      "tpu.region"() ({
        %run_scoped3A = tpu.sem_alloc : memref<!tpu.dma_semaphore, #tpu.memory_space<semaphore_mem>>
        %dma_start3A_28 = tpu.memref_slice %arg2[%add3A_11] : memref<131072xi32, #tpu.memory_space<hbm>> -> memref<1024xi32, #tpu.memory_space<hbm>>
        %dma_start3A_29 = tpu.memref_slice %arg2[%add3A_11] : memref<131072xi32, #tpu.memory_space<hbm>> -> memref<1024xi32, #tpu.memory_space<hbm>>
        tpu.enqueue_dma source(%dma_start3A_29 : memref<1024xi32, #tpu.memory_space<hbm>>) target(%arg9 : memref<1024xi32, #tpu.memory_space<vmem>>) target_semaphore(%run_scoped3A : memref<!tpu.dma_semaphore, #tpu.memory_space<semaphore_mem>>)
        %dma_wait3A_30 = tpu.memref_slice %arg2[%add3A_11] : memref<131072xi32, #tpu.memory_space<hbm>> -> memref<1024xi32, #tpu.memory_space<hbm>>
        %dma_wait3A_31 = tpu.memref_slice %arg2[%add3A_11] : memref<131072xi32, #tpu.memory_space<hbm>> -> memref<1024xi32, #tpu.memory_space<hbm>>
        tpu.wait_dma2 semaphore(%run_scoped3A : memref<!tpu.dma_semaphore, #tpu.memory_space<semaphore_mem>>) src(%dma_wait3A_31 : memref<1024xi32, #tpu.memory_space<hbm>>) dst(%arg9 : memref<1024xi32, #tpu.memory_space<vmem>>)
        tpu.yield
      }) : () -> ()
      %dma_start3A = arith.constant 0 : i32
      %dma_start3A_12 = arith.constant 0 : i32
      %dma_start3A_13 = tpu.memref_slice %arg3[%dma_start3A, %dma_start3A_12] : memref<1000001x8xi32, #tpu.memory_space<hbm>> -> memref<1000001x8xi32, #tpu.memory_space<hbm>>
      tpu.enqueue_indirect_dma source(%dma_start3A_13 : memref<1000001x8xi32, #tpu.memory_space<hbm>>) target(%arg10 : memref<1024x8xi32, #tpu.memory_space<vmem>>) offsets(%arg9 : memref<1024xi32, #tpu.memory_space<vmem>>) semaphore(%arg13 : memref<!tpu.dma_semaphore, #tpu.memory_space<semaphore_mem>>)
      %dma_wait3A = arith.constant 0 : i32
      %dma_wait3A_14 = arith.constant 0 : i32
      %dma_wait3A_15 = tpu.memref_slice %arg3[%dma_wait3A, %dma_wait3A_14] : memref<1000001x8xi32, #tpu.memory_space<hbm>> -> memref<1000001x8xi32, #tpu.memory_space<hbm>>
      tpu.wait_indirect_dma semaphore(%arg13 : memref<!tpu.dma_semaphore, #tpu.memory_space<semaphore_mem>>) src(%dma_wait3A_15 : memref<1000001x8xi32, #tpu.memory_space<hbm>>) dst(%arg10 : memref<1024x8xi32, #tpu.memory_space<vmem>>)
      "tpu.region"() ({
        %run_scoped3A = tpu.sem_alloc : memref<!tpu.dma_semaphore, #tpu.memory_space<semaphore_mem>>
        %dma_start3A_28 = arith.constant 0 : i32
        %dma_start3A_29 = tpu.memref_slice %arg6[%add3A_11, %dma_start3A_28] : memref<131072x8xi32, #tpu.memory_space<hbm>> -> memref<1024x8xi32, #tpu.memory_space<hbm>>
        %dma_start3A_30 = arith.constant 0 : i32
        %dma_start3A_31 = tpu.memref_slice %arg6[%add3A_11, %dma_start3A_30] : memref<131072x8xi32, #tpu.memory_space<hbm>> -> memref<1024x8xi32, #tpu.memory_space<hbm>>
        tpu.enqueue_dma source(%arg10 : memref<1024x8xi32, #tpu.memory_space<vmem>>) target(%dma_start3A_31 : memref<1024x8xi32, #tpu.memory_space<hbm>>) target_semaphore(%run_scoped3A : memref<!tpu.dma_semaphore, #tpu.memory_space<semaphore_mem>>)
        %dma_wait3A_32 = arith.constant 0 : i32
        %dma_wait3A_33 = tpu.memref_slice %arg6[%add3A_11, %dma_wait3A_32] : memref<131072x8xi32, #tpu.memory_space<hbm>> -> memref<1024x8xi32, #tpu.memory_space<hbm>>
        %dma_wait3A_34 = arith.constant 0 : i32
        %dma_wait3A_35 = tpu.memref_slice %arg6[%add3A_11, %dma_wait3A_34] : memref<131072x8xi32, #tpu.memory_space<hbm>> -> memref<1024x8xi32, #tpu.memory_space<hbm>>
        tpu.wait_dma2 semaphore(%run_scoped3A : memref<!tpu.dma_semaphore, #tpu.memory_space<semaphore_mem>>) src(%arg10 : memref<1024x8xi32, #tpu.memory_space<vmem>>) dst(%dma_wait3A_35 : memref<1024x8xi32, #tpu.memory_space<hbm>>)
        tpu.yield
      }) : () -> ()
      %dma_start3A_16 = arith.constant 0 : i32
      %dma_start3A_17 = arith.constant 0 : i32
      %dma_start3A_18 = tpu.memref_slice %arg4[%dma_start3A_16, %dma_start3A_17] : memref<1000001x8xi32, #tpu.memory_space<hbm>> -> memref<1000001x8xi32, #tpu.memory_space<hbm>>
      tpu.enqueue_indirect_dma source(%dma_start3A_18 : memref<1000001x8xi32, #tpu.memory_space<hbm>>) target(%arg11 : memref<1024x8xi32, #tpu.memory_space<vmem>>) offsets(%arg9 : memref<1024xi32, #tpu.memory_space<vmem>>) semaphore(%arg13 : memref<!tpu.dma_semaphore, #tpu.memory_space<semaphore_mem>>)
      %dma_wait3A_19 = arith.constant 0 : i32
      %dma_wait3A_20 = arith.constant 0 : i32
      %dma_wait3A_21 = tpu.memref_slice %arg4[%dma_wait3A_19, %dma_wait3A_20] : memref<1000001x8xi32, #tpu.memory_space<hbm>> -> memref<1000001x8xi32, #tpu.memory_space<hbm>>
      tpu.wait_indirect_dma semaphore(%arg13 : memref<!tpu.dma_semaphore, #tpu.memory_space<semaphore_mem>>) src(%dma_wait3A_21 : memref<1000001x8xi32, #tpu.memory_space<hbm>>) dst(%arg11 : memref<1024x8xi32, #tpu.memory_space<vmem>>)
      "tpu.region"() ({
        %run_scoped3A = tpu.sem_alloc : memref<!tpu.dma_semaphore, #tpu.memory_space<semaphore_mem>>
        %dma_start3A_28 = arith.constant 0 : i32
        %dma_start3A_29 = tpu.memref_slice %arg7[%add3A_11, %dma_start3A_28] : memref<131072x8xi32, #tpu.memory_space<hbm>> -> memref<1024x8xi32, #tpu.memory_space<hbm>>
        %dma_start3A_30 = arith.constant 0 : i32
        %dma_start3A_31 = tpu.memref_slice %arg7[%add3A_11, %dma_start3A_30] : memref<131072x8xi32, #tpu.memory_space<hbm>> -> memref<1024x8xi32, #tpu.memory_space<hbm>>
        tpu.enqueue_dma source(%arg11 : memref<1024x8xi32, #tpu.memory_space<vmem>>) target(%dma_start3A_31 : memref<1024x8xi32, #tpu.memory_space<hbm>>) target_semaphore(%run_scoped3A : memref<!tpu.dma_semaphore, #tpu.memory_space<semaphore_mem>>)
        %dma_wait3A_32 = arith.constant 0 : i32
        %dma_wait3A_33 = tpu.memref_slice %arg7[%add3A_11, %dma_wait3A_32] : memref<131072x8xi32, #tpu.memory_space<hbm>> -> memref<1024x8xi32, #tpu.memory_space<hbm>>
        %dma_wait3A_34 = arith.constant 0 : i32
        %dma_wait3A_35 = tpu.memref_slice %arg7[%add3A_11, %dma_wait3A_34] : memref<131072x8xi32, #tpu.memory_space<hbm>> -> memref<1024x8xi32, #tpu.memory_space<hbm>>
        tpu.wait_dma2 semaphore(%run_scoped3A : memref<!tpu.dma_semaphore, #tpu.memory_space<semaphore_mem>>) src(%arg11 : memref<1024x8xi32, #tpu.memory_space<vmem>>) dst(%dma_wait3A_35 : memref<1024x8xi32, #tpu.memory_space<hbm>>)
        tpu.yield
      }) : () -> ()
      %dma_start3A_22 = arith.constant 0 : i32
      %dma_start3A_23 = arith.constant 0 : i32
      %dma_start3A_24 = tpu.memref_slice %arg5[%dma_start3A_22, %dma_start3A_23] : memref<1000001x32xf32, #tpu.memory_space<hbm>> -> memref<1000001x32xf32, #tpu.memory_space<hbm>>
      tpu.enqueue_indirect_dma source(%dma_start3A_24 : memref<1000001x32xf32, #tpu.memory_space<hbm>>) target(%arg12 : memref<1024x32xf32, #tpu.memory_space<vmem>>) offsets(%arg9 : memref<1024xi32, #tpu.memory_space<vmem>>) semaphore(%arg13 : memref<!tpu.dma_semaphore, #tpu.memory_space<semaphore_mem>>)
      %dma_wait3A_25 = arith.constant 0 : i32
      %dma_wait3A_26 = arith.constant 0 : i32
      %dma_wait3A_27 = tpu.memref_slice %arg5[%dma_wait3A_25, %dma_wait3A_26] : memref<1000001x32xf32, #tpu.memory_space<hbm>> -> memref<1000001x32xf32, #tpu.memory_space<hbm>>
      tpu.wait_indirect_dma semaphore(%arg13 : memref<!tpu.dma_semaphore, #tpu.memory_space<semaphore_mem>>) src(%dma_wait3A_27 : memref<1000001x32xf32, #tpu.memory_space<hbm>>) dst(%arg12 : memref<1024x32xf32, #tpu.memory_space<vmem>>)
      "tpu.region"() ({
        %run_scoped3A = tpu.sem_alloc : memref<!tpu.dma_semaphore, #tpu.memory_space<semaphore_mem>>
        %dma_start3A_28 = arith.constant 0 : i32
        %dma_start3A_29 = tpu.memref_slice %arg8[%add3A_11, %dma_start3A_28] : memref<131072x32xf32, #tpu.memory_space<hbm>> -> memref<1024x32xf32, #tpu.memory_space<hbm>>
        %dma_start3A_30 = arith.constant 0 : i32
        %dma_start3A_31 = tpu.memref_slice %arg8[%add3A_11, %dma_start3A_30] : memref<131072x32xf32, #tpu.memory_space<hbm>> -> memref<1024x32xf32, #tpu.memory_space<hbm>>
        tpu.enqueue_dma source(%arg12 : memref<1024x32xf32, #tpu.memory_space<vmem>>) target(%dma_start3A_31 : memref<1024x32xf32, #tpu.memory_space<hbm>>) target_semaphore(%run_scoped3A : memref<!tpu.dma_semaphore, #tpu.memory_space<semaphore_mem>>)
        %dma_wait3A_32 = arith.constant 0 : i32
        %dma_wait3A_33 = tpu.memref_slice %arg8[%add3A_11, %dma_wait3A_32] : memref<131072x32xf32, #tpu.memory_space<hbm>> -> memref<1024x32xf32, #tpu.memory_space<hbm>>
        %dma_wait3A_34 = arith.constant 0 : i32
        %dma_wait3A_35 = tpu.memref_slice %arg8[%add3A_11, %dma_wait3A_34] : memref<131072x32xf32, #tpu.memory_space<hbm>> -> memref<1024x32xf32, #tpu.memory_space<hbm>>
        tpu.wait_dma2 semaphore(%run_scoped3A : memref<!tpu.dma_semaphore, #tpu.memory_space<semaphore_mem>>) src(%arg12 : memref<1024x32xf32, #tpu.memory_space<vmem>>) dst(%dma_wait3A_35 : memref<1024x32xf32, #tpu.memory_space<hbm>>)
        tpu.yield
      }) : () -> ()
    }
    %scan3A_7 = arith.constant 4 : i32
    return
  }
}

#map = affine_map<(d0, d1) -> (0)>
#map1 = affine_map<(d0, d1) -> (0, 0)>
module attributes {stable_mosaic.version = 14 : i64} {
  func.func @sc_gather(%arg0: i32, %arg1: i32, %arg2: memref<1048576xi32, #tpu.memory_space<hbm>>, %arg3: memref<1000001x16xi32, #tpu.memory_space<hbm>>, %arg4: memref<1048576x16xi32, #tpu.memory_space<hbm>>, %arg5: memref<2048xi32, #tpu.memory_space<vmem>>, %arg6: memref<2048x16xi32, #tpu.memory_space<vmem>>, %arg7: memref<!tpu.dma_semaphore, #tpu.memory_space<semaphore_mem>>) attributes {dimension_semantics = [#tpu.dimension_semantics<core_parallel>, #tpu.dimension_semantics<subcore_parallel>], iteration_bounds = array<i64: 2, 16>, scalar_prefetch = 0 : i64, scratch_operands = 3 : i64, tpu.core_type = #tpu.core_type<sc_vector_subcore>, window_params = [{transform_indices = #map}, {transform_indices = #map1}, {transform_indices = #map1}]} {
    %mul3A = arith.constant 2 : i32
    %mul3A_0 = arith.muli %arg1, %mul3A : i32
    %add3A = arith.addi %mul3A_0, %arg0 : i32
    %mul3A_1 = arith.constant 32768 : i32
    %mul3A_2 = arith.muli %add3A, %mul3A_1 : i32
    %scan3A = arith.constant 0 : i32
    %scan3A_3 = arith.constant 0 : i32
    %scan3A_4 = arith.constant 16 : i32
    %scan3A_5 = arith.addi %scan3A_3, %scan3A_4 : i32
    %scan3A_6 = arith.constant 1 : i32
    scf.for %scan3A_8 = %scan3A_3 to %scan3A_5 step %scan3A_6  : i32 {
      %mul3A_9 = arith.constant 2048 : i32
      %mul3A_10 = arith.muli %scan3A_8, %mul3A_9 : i32
      %add3A_11 = arith.addi %mul3A_2, %mul3A_10 : i32
      "tpu.region"() ({
        %run_scoped3A = tpu.sem_alloc : memref<!tpu.dma_semaphore, #tpu.memory_space<semaphore_mem>>
        %dma_start3A_16 = tpu.memref_slice %arg2[%add3A_11] : memref<1048576xi32, #tpu.memory_space<hbm>> -> memref<2048xi32, #tpu.memory_space<hbm>>
        %dma_start3A_17 = tpu.memref_slice %arg2[%add3A_11] : memref<1048576xi32, #tpu.memory_space<hbm>> -> memref<2048xi32, #tpu.memory_space<hbm>>
        tpu.enqueue_dma source(%dma_start3A_17 : memref<2048xi32, #tpu.memory_space<hbm>>) target(%arg5 : memref<2048xi32, #tpu.memory_space<vmem>>) target_semaphore(%run_scoped3A : memref<!tpu.dma_semaphore, #tpu.memory_space<semaphore_mem>>)
        %dma_wait3A_18 = tpu.memref_slice %arg2[%add3A_11] : memref<1048576xi32, #tpu.memory_space<hbm>> -> memref<2048xi32, #tpu.memory_space<hbm>>
        %dma_wait3A_19 = tpu.memref_slice %arg2[%add3A_11] : memref<1048576xi32, #tpu.memory_space<hbm>> -> memref<2048xi32, #tpu.memory_space<hbm>>
        tpu.wait_dma2 semaphore(%run_scoped3A : memref<!tpu.dma_semaphore, #tpu.memory_space<semaphore_mem>>) src(%dma_wait3A_19 : memref<2048xi32, #tpu.memory_space<hbm>>) dst(%arg5 : memref<2048xi32, #tpu.memory_space<vmem>>)
        tpu.yield
      }) : () -> ()
      %dma_start3A = arith.constant 0 : i32
      %dma_start3A_12 = arith.constant 0 : i32
      %dma_start3A_13 = tpu.memref_slice %arg3[%dma_start3A, %dma_start3A_12] : memref<1000001x16xi32, #tpu.memory_space<hbm>> -> memref<1000001x16xi32, #tpu.memory_space<hbm>>
      tpu.enqueue_indirect_dma source(%dma_start3A_13 : memref<1000001x16xi32, #tpu.memory_space<hbm>>) target(%arg6 : memref<2048x16xi32, #tpu.memory_space<vmem>>) offsets(%arg5 : memref<2048xi32, #tpu.memory_space<vmem>>) semaphore(%arg7 : memref<!tpu.dma_semaphore, #tpu.memory_space<semaphore_mem>>)
      %dma_wait3A = arith.constant 0 : i32
      %dma_wait3A_14 = arith.constant 0 : i32
      %dma_wait3A_15 = tpu.memref_slice %arg3[%dma_wait3A, %dma_wait3A_14] : memref<1000001x16xi32, #tpu.memory_space<hbm>> -> memref<1000001x16xi32, #tpu.memory_space<hbm>>
      tpu.wait_indirect_dma semaphore(%arg7 : memref<!tpu.dma_semaphore, #tpu.memory_space<semaphore_mem>>) src(%dma_wait3A_15 : memref<1000001x16xi32, #tpu.memory_space<hbm>>) dst(%arg6 : memref<2048x16xi32, #tpu.memory_space<vmem>>)
      "tpu.region"() ({
        %run_scoped3A = tpu.sem_alloc : memref<!tpu.dma_semaphore, #tpu.memory_space<semaphore_mem>>
        %dma_start3A_16 = arith.constant 0 : i32
        %dma_start3A_17 = tpu.memref_slice %arg4[%add3A_11, %dma_start3A_16] : memref<1048576x16xi32, #tpu.memory_space<hbm>> -> memref<2048x16xi32, #tpu.memory_space<hbm>>
        %dma_start3A_18 = arith.constant 0 : i32
        %dma_start3A_19 = tpu.memref_slice %arg4[%add3A_11, %dma_start3A_18] : memref<1048576x16xi32, #tpu.memory_space<hbm>> -> memref<2048x16xi32, #tpu.memory_space<hbm>>
        tpu.enqueue_dma source(%arg6 : memref<2048x16xi32, #tpu.memory_space<vmem>>) target(%dma_start3A_19 : memref<2048x16xi32, #tpu.memory_space<hbm>>) target_semaphore(%run_scoped3A : memref<!tpu.dma_semaphore, #tpu.memory_space<semaphore_mem>>)
        %dma_wait3A_20 = arith.constant 0 : i32
        %dma_wait3A_21 = tpu.memref_slice %arg4[%add3A_11, %dma_wait3A_20] : memref<1048576x16xi32, #tpu.memory_space<hbm>> -> memref<2048x16xi32, #tpu.memory_space<hbm>>
        %dma_wait3A_22 = arith.constant 0 : i32
        %dma_wait3A_23 = tpu.memref_slice %arg4[%add3A_11, %dma_wait3A_22] : memref<1048576x16xi32, #tpu.memory_space<hbm>> -> memref<2048x16xi32, #tpu.memory_space<hbm>>
        tpu.wait_dma2 semaphore(%run_scoped3A : memref<!tpu.dma_semaphore, #tpu.memory_space<semaphore_mem>>) src(%arg6 : memref<2048x16xi32, #tpu.memory_space<vmem>>) dst(%dma_wait3A_23 : memref<2048x16xi32, #tpu.memory_space<hbm>>)
        tpu.yield
      }) : () -> ()
    }
    %scan3A_7 = arith.constant 16 : i32
    return
  }
}

#map = affine_map<(d0, d1) -> (0)>
#map1 = affine_map<(d0, d1) -> (0, 0)>
module attributes {stable_mosaic.version = 14 : i64} {
  func.func @sc_gather(%arg0: i32, %arg1: i32, %arg2: memref<16384xi32, #tpu.memory_space<hbm>>, %arg3: memref<16384xi32, #tpu.memory_space<hbm>>, %arg4: memref<16384xi32, #tpu.memory_space<hbm>>, %arg5: memref<1000001x8xi32, #tpu.memory_space<hbm>>, %arg6: memref<1000001x8xi32, #tpu.memory_space<hbm>>, %arg7: memref<100000x32xf32, #tpu.memory_space<hbm>>, %arg8: memref<500000x32xf32, #tpu.memory_space<hbm>>, %arg9: memref<16384x8xi32, #tpu.memory_space<hbm>>, %arg10: memref<16384x8xi32, #tpu.memory_space<hbm>>, %arg11: memref<16384x32xf32, #tpu.memory_space<hbm>>, %arg12: memref<16384x32xf32, #tpu.memory_space<hbm>>, %arg13: memref<512xi32, #tpu.memory_space<vmem>>, %arg14: memref<512xi32, #tpu.memory_space<vmem>>, %arg15: memref<512xi32, #tpu.memory_space<vmem>>, %arg16: memref<512x8xi32, #tpu.memory_space<vmem>>, %arg17: memref<512x8xi32, #tpu.memory_space<vmem>>, %arg18: memref<512x32xf32, #tpu.memory_space<vmem>>, %arg19: memref<512x32xf32, #tpu.memory_space<vmem>>, %arg20: memref<!tpu.dma_semaphore, #tpu.memory_space<semaphore_mem>>) attributes {dimension_semantics = [#tpu.dimension_semantics<core_parallel>, #tpu.dimension_semantics<subcore_parallel>], iteration_bounds = array<i64: 2, 16>, scalar_prefetch = 0 : i64, scratch_operands = 8 : i64, tpu.core_type = #tpu.core_type<sc_vector_subcore>, window_params = [{transform_indices = #map}, {transform_indices = #map}, {transform_indices = #map}, {transform_indices = #map1}, {transform_indices = #map1}, {transform_indices = #map1}, {transform_indices = #map1}, {transform_indices = #map1}, {transform_indices = #map1}, {transform_indices = #map1}, {transform_indices = #map1}]} {
    %mul3A = arith.constant 2 : i32
    %mul3A_0 = arith.muli %arg1, %mul3A : i32
    %add3A = arith.addi %mul3A_0, %arg0 : i32
    %mul3A_1 = arith.constant 512 : i32
    %mul3A_2 = arith.muli %add3A, %mul3A_1 : i32
    %scan3A = arith.constant 0 : i32
    %scan3A_3 = arith.constant 0 : i32
    %mul3A_4 = arith.constant 512 : i32
    %mul3A_5 = arith.muli %scan3A_3, %mul3A_4 : i32
    %add3A_6 = arith.addi %mul3A_2, %mul3A_5 : i32
    "tpu.region"() ({
      %run_scoped3A = tpu.sem_alloc : memref<!tpu.dma_semaphore, #tpu.memory_space<semaphore_mem>>
      %dma_start3A_30 = tpu.memref_slice %arg2[%add3A_6] : memref<16384xi32, #tpu.memory_space<hbm>> -> memref<512xi32, #tpu.memory_space<hbm>>
      %dma_start3A_31 = tpu.memref_slice %arg2[%add3A_6] : memref<16384xi32, #tpu.memory_space<hbm>> -> memref<512xi32, #tpu.memory_space<hbm>>
      tpu.enqueue_dma source(%dma_start3A_31 : memref<512xi32, #tpu.memory_space<hbm>>) target(%arg13 : memref<512xi32, #tpu.memory_space<vmem>>) target_semaphore(%run_scoped3A : memref<!tpu.dma_semaphore, #tpu.memory_space<semaphore_mem>>)
      %dma_wait3A_32 = tpu.memref_slice %arg2[%add3A_6] : memref<16384xi32, #tpu.memory_space<hbm>> -> memref<512xi32, #tpu.memory_space<hbm>>
      %dma_wait3A_33 = tpu.memref_slice %arg2[%add3A_6] : memref<16384xi32, #tpu.memory_space<hbm>> -> memref<512xi32, #tpu.memory_space<hbm>>
      tpu.wait_dma2 semaphore(%run_scoped3A : memref<!tpu.dma_semaphore, #tpu.memory_space<semaphore_mem>>) src(%dma_wait3A_33 : memref<512xi32, #tpu.memory_space<hbm>>) dst(%arg13 : memref<512xi32, #tpu.memory_space<vmem>>)
      tpu.yield
    }) : () -> ()
    "tpu.region"() ({
      %run_scoped3A = tpu.sem_alloc : memref<!tpu.dma_semaphore, #tpu.memory_space<semaphore_mem>>
      %dma_start3A_30 = tpu.memref_slice %arg3[%add3A_6] : memref<16384xi32, #tpu.memory_space<hbm>> -> memref<512xi32, #tpu.memory_space<hbm>>
      %dma_start3A_31 = tpu.memref_slice %arg3[%add3A_6] : memref<16384xi32, #tpu.memory_space<hbm>> -> memref<512xi32, #tpu.memory_space<hbm>>
      tpu.enqueue_dma source(%dma_start3A_31 : memref<512xi32, #tpu.memory_space<hbm>>) target(%arg14 : memref<512xi32, #tpu.memory_space<vmem>>) target_semaphore(%run_scoped3A : memref<!tpu.dma_semaphore, #tpu.memory_space<semaphore_mem>>)
      %dma_wait3A_32 = tpu.memref_slice %arg3[%add3A_6] : memref<16384xi32, #tpu.memory_space<hbm>> -> memref<512xi32, #tpu.memory_space<hbm>>
      %dma_wait3A_33 = tpu.memref_slice %arg3[%add3A_6] : memref<16384xi32, #tpu.memory_space<hbm>> -> memref<512xi32, #tpu.memory_space<hbm>>
      tpu.wait_dma2 semaphore(%run_scoped3A : memref<!tpu.dma_semaphore, #tpu.memory_space<semaphore_mem>>) src(%dma_wait3A_33 : memref<512xi32, #tpu.memory_space<hbm>>) dst(%arg14 : memref<512xi32, #tpu.memory_space<vmem>>)
      tpu.yield
    }) : () -> ()
    "tpu.region"() ({
      %run_scoped3A = tpu.sem_alloc : memref<!tpu.dma_semaphore, #tpu.memory_space<semaphore_mem>>
      %dma_start3A_30 = tpu.memref_slice %arg4[%add3A_6] : memref<16384xi32, #tpu.memory_space<hbm>> -> memref<512xi32, #tpu.memory_space<hbm>>
      %dma_start3A_31 = tpu.memref_slice %arg4[%add3A_6] : memref<16384xi32, #tpu.memory_space<hbm>> -> memref<512xi32, #tpu.memory_space<hbm>>
      tpu.enqueue_dma source(%dma_start3A_31 : memref<512xi32, #tpu.memory_space<hbm>>) target(%arg15 : memref<512xi32, #tpu.memory_space<vmem>>) target_semaphore(%run_scoped3A : memref<!tpu.dma_semaphore, #tpu.memory_space<semaphore_mem>>)
      %dma_wait3A_32 = tpu.memref_slice %arg4[%add3A_6] : memref<16384xi32, #tpu.memory_space<hbm>> -> memref<512xi32, #tpu.memory_space<hbm>>
      %dma_wait3A_33 = tpu.memref_slice %arg4[%add3A_6] : memref<16384xi32, #tpu.memory_space<hbm>> -> memref<512xi32, #tpu.memory_space<hbm>>
      tpu.wait_dma2 semaphore(%run_scoped3A : memref<!tpu.dma_semaphore, #tpu.memory_space<semaphore_mem>>) src(%dma_wait3A_33 : memref<512xi32, #tpu.memory_space<hbm>>) dst(%arg15 : memref<512xi32, #tpu.memory_space<vmem>>)
      tpu.yield
    }) : () -> ()
    %dma_start3A = arith.constant 0 : i32
    %dma_start3A_7 = arith.constant 0 : i32
    %dma_start3A_8 = tpu.memref_slice %arg5[%dma_start3A, %dma_start3A_7] : memref<1000001x8xi32, #tpu.memory_space<hbm>> -> memref<1000001x8xi32, #tpu.memory_space<hbm>>
    tpu.enqueue_indirect_dma source(%dma_start3A_8 : memref<1000001x8xi32, #tpu.memory_space<hbm>>) target(%arg16 : memref<512x8xi32, #tpu.memory_space<vmem>>) offsets(%arg13 : memref<512xi32, #tpu.memory_space<vmem>>) semaphore(%arg20 : memref<!tpu.dma_semaphore, #tpu.memory_space<semaphore_mem>>)
    %dma_wait3A = arith.constant 0 : i32
    %dma_wait3A_9 = arith.constant 0 : i32
    %dma_wait3A_10 = tpu.memref_slice %arg5[%dma_wait3A, %dma_wait3A_9] : memref<1000001x8xi32, #tpu.memory_space<hbm>> -> memref<1000001x8xi32, #tpu.memory_space<hbm>>
    tpu.wait_indirect_dma semaphore(%arg20 : memref<!tpu.dma_semaphore, #tpu.memory_space<semaphore_mem>>) src(%dma_wait3A_10 : memref<1000001x8xi32, #tpu.memory_space<hbm>>) dst(%arg16 : memref<512x8xi32, #tpu.memory_space<vmem>>)
    "tpu.region"() ({
      %run_scoped3A = tpu.sem_alloc : memref<!tpu.dma_semaphore, #tpu.memory_space<semaphore_mem>>
      %dma_start3A_30 = arith.constant 0 : i32
      %dma_start3A_31 = tpu.memref_slice %arg9[%add3A_6, %dma_start3A_30] : memref<16384x8xi32, #tpu.memory_space<hbm>> -> memref<512x8xi32, #tpu.memory_space<hbm>>
      %dma_start3A_32 = arith.constant 0 : i32
      %dma_start3A_33 = tpu.memref_slice %arg9[%add3A_6, %dma_start3A_32] : memref<16384x8xi32, #tpu.memory_space<hbm>> -> memref<512x8xi32, #tpu.memory_space<hbm>>
      tpu.enqueue_dma source(%arg16 : memref<512x8xi32, #tpu.memory_space<vmem>>) target(%dma_start3A_33 : memref<512x8xi32, #tpu.memory_space<hbm>>) target_semaphore(%run_scoped3A : memref<!tpu.dma_semaphore, #tpu.memory_space<semaphore_mem>>)
      %dma_wait3A_34 = arith.constant 0 : i32
      %dma_wait3A_35 = tpu.memref_slice %arg9[%add3A_6, %dma_wait3A_34] : memref<16384x8xi32, #tpu.memory_space<hbm>> -> memref<512x8xi32, #tpu.memory_space<hbm>>
      %dma_wait3A_36 = arith.constant 0 : i32
      %dma_wait3A_37 = tpu.memref_slice %arg9[%add3A_6, %dma_wait3A_36] : memref<16384x8xi32, #tpu.memory_space<hbm>> -> memref<512x8xi32, #tpu.memory_space<hbm>>
      tpu.wait_dma2 semaphore(%run_scoped3A : memref<!tpu.dma_semaphore, #tpu.memory_space<semaphore_mem>>) src(%arg16 : memref<512x8xi32, #tpu.memory_space<vmem>>) dst(%dma_wait3A_37 : memref<512x8xi32, #tpu.memory_space<hbm>>)
      tpu.yield
    }) : () -> ()
    %dma_start3A_11 = arith.constant 0 : i32
    %dma_start3A_12 = arith.constant 0 : i32
    %dma_start3A_13 = tpu.memref_slice %arg6[%dma_start3A_11, %dma_start3A_12] : memref<1000001x8xi32, #tpu.memory_space<hbm>> -> memref<1000001x8xi32, #tpu.memory_space<hbm>>
    tpu.enqueue_indirect_dma source(%dma_start3A_13 : memref<1000001x8xi32, #tpu.memory_space<hbm>>) target(%arg17 : memref<512x8xi32, #tpu.memory_space<vmem>>) offsets(%arg13 : memref<512xi32, #tpu.memory_space<vmem>>) semaphore(%arg20 : memref<!tpu.dma_semaphore, #tpu.memory_space<semaphore_mem>>)
    %dma_wait3A_14 = arith.constant 0 : i32
    %dma_wait3A_15 = arith.constant 0 : i32
    %dma_wait3A_16 = tpu.memref_slice %arg6[%dma_wait3A_14, %dma_wait3A_15] : memref<1000001x8xi32, #tpu.memory_space<hbm>> -> memref<1000001x8xi32, #tpu.memory_space<hbm>>
    tpu.wait_indirect_dma semaphore(%arg20 : memref<!tpu.dma_semaphore, #tpu.memory_space<semaphore_mem>>) src(%dma_wait3A_16 : memref<1000001x8xi32, #tpu.memory_space<hbm>>) dst(%arg17 : memref<512x8xi32, #tpu.memory_space<vmem>>)
    "tpu.region"() ({
      %run_scoped3A = tpu.sem_alloc : memref<!tpu.dma_semaphore, #tpu.memory_space<semaphore_mem>>
      %dma_start3A_30 = arith.constant 0 : i32
      %dma_start3A_31 = tpu.memref_slice %arg10[%add3A_6, %dma_start3A_30] : memref<16384x8xi32, #tpu.memory_space<hbm>> -> memref<512x8xi32, #tpu.memory_space<hbm>>
      %dma_start3A_32 = arith.constant 0 : i32
      %dma_start3A_33 = tpu.memref_slice %arg10[%add3A_6, %dma_start3A_32] : memref<16384x8xi32, #tpu.memory_space<hbm>> -> memref<512x8xi32, #tpu.memory_space<hbm>>
      tpu.enqueue_dma source(%arg17 : memref<512x8xi32, #tpu.memory_space<vmem>>) target(%dma_start3A_33 : memref<512x8xi32, #tpu.memory_space<hbm>>) target_semaphore(%run_scoped3A : memref<!tpu.dma_semaphore, #tpu.memory_space<semaphore_mem>>)
      %dma_wait3A_34 = arith.constant 0 : i32
      %dma_wait3A_35 = tpu.memref_slice %arg10[%add3A_6, %dma_wait3A_34] : memref<16384x8xi32, #tpu.memory_space<hbm>> -> memref<512x8xi32, #tpu.memory_space<hbm>>
      %dma_wait3A_36 = arith.constant 0 : i32
      %dma_wait3A_37 = tpu.memref_slice %arg10[%add3A_6, %dma_wait3A_36] : memref<16384x8xi32, #tpu.memory_space<hbm>> -> memref<512x8xi32, #tpu.memory_space<hbm>>
      tpu.wait_dma2 semaphore(%run_scoped3A : memref<!tpu.dma_semaphore, #tpu.memory_space<semaphore_mem>>) src(%arg17 : memref<512x8xi32, #tpu.memory_space<vmem>>) dst(%dma_wait3A_37 : memref<512x8xi32, #tpu.memory_space<hbm>>)
      tpu.yield
    }) : () -> ()
    %dma_start3A_17 = arith.constant 0 : i32
    %dma_start3A_18 = arith.constant 0 : i32
    %dma_start3A_19 = tpu.memref_slice %arg7[%dma_start3A_17, %dma_start3A_18] : memref<100000x32xf32, #tpu.memory_space<hbm>> -> memref<100000x32xf32, #tpu.memory_space<hbm>>
    tpu.enqueue_indirect_dma source(%dma_start3A_19 : memref<100000x32xf32, #tpu.memory_space<hbm>>) target(%arg18 : memref<512x32xf32, #tpu.memory_space<vmem>>) offsets(%arg14 : memref<512xi32, #tpu.memory_space<vmem>>) semaphore(%arg20 : memref<!tpu.dma_semaphore, #tpu.memory_space<semaphore_mem>>)
    %dma_wait3A_20 = arith.constant 0 : i32
    %dma_wait3A_21 = arith.constant 0 : i32
    %dma_wait3A_22 = tpu.memref_slice %arg7[%dma_wait3A_20, %dma_wait3A_21] : memref<100000x32xf32, #tpu.memory_space<hbm>> -> memref<100000x32xf32, #tpu.memory_space<hbm>>
    tpu.wait_indirect_dma semaphore(%arg20 : memref<!tpu.dma_semaphore, #tpu.memory_space<semaphore_mem>>) src(%dma_wait3A_22 : memref<100000x32xf32, #tpu.memory_space<hbm>>) dst(%arg18 : memref<512x32xf32, #tpu.memory_space<vmem>>)
    "tpu.region"() ({
      %run_scoped3A = tpu.sem_alloc : memref<!tpu.dma_semaphore, #tpu.memory_space<semaphore_mem>>
      %dma_start3A_30 = arith.constant 0 : i32
      %dma_start3A_31 = tpu.memref_slice %arg11[%add3A_6, %dma_start3A_30] : memref<16384x32xf32, #tpu.memory_space<hbm>> -> memref<512x32xf32, #tpu.memory_space<hbm>>
      %dma_start3A_32 = arith.constant 0 : i32
      %dma_start3A_33 = tpu.memref_slice %arg11[%add3A_6, %dma_start3A_32] : memref<16384x32xf32, #tpu.memory_space<hbm>> -> memref<512x32xf32, #tpu.memory_space<hbm>>
      tpu.enqueue_dma source(%arg18 : memref<512x32xf32, #tpu.memory_space<vmem>>) target(%dma_start3A_33 : memref<512x32xf32, #tpu.memory_space<hbm>>) target_semaphore(%run_scoped3A : memref<!tpu.dma_semaphore, #tpu.memory_space<semaphore_mem>>)
      %dma_wait3A_34 = arith.constant 0 : i32
      %dma_wait3A_35 = tpu.memref_slice %arg11[%add3A_6, %dma_wait3A_34] : memref<16384x32xf32, #tpu.memory_space<hbm>> -> memref<512x32xf32, #tpu.memory_space<hbm>>
      %dma_wait3A_36 = arith.constant 0 : i32
      %dma_wait3A_37 = tpu.memref_slice %arg11[%add3A_6, %dma_wait3A_36] : memref<16384x32xf32, #tpu.memory_space<hbm>> -> memref<512x32xf32, #tpu.memory_space<hbm>>
      tpu.wait_dma2 semaphore(%run_scoped3A : memref<!tpu.dma_semaphore, #tpu.memory_space<semaphore_mem>>) src(%arg18 : memref<512x32xf32, #tpu.memory_space<vmem>>) dst(%dma_wait3A_37 : memref<512x32xf32, #tpu.memory_space<hbm>>)
      tpu.yield
    }) : () -> ()
    %dma_start3A_23 = arith.constant 0 : i32
    %dma_start3A_24 = arith.constant 0 : i32
    %dma_start3A_25 = tpu.memref_slice %arg8[%dma_start3A_23, %dma_start3A_24] : memref<500000x32xf32, #tpu.memory_space<hbm>> -> memref<500000x32xf32, #tpu.memory_space<hbm>>
    tpu.enqueue_indirect_dma source(%dma_start3A_25 : memref<500000x32xf32, #tpu.memory_space<hbm>>) target(%arg19 : memref<512x32xf32, #tpu.memory_space<vmem>>) offsets(%arg15 : memref<512xi32, #tpu.memory_space<vmem>>) semaphore(%arg20 : memref<!tpu.dma_semaphore, #tpu.memory_space<semaphore_mem>>)
    %dma_wait3A_26 = arith.constant 0 : i32
    %dma_wait3A_27 = arith.constant 0 : i32
    %dma_wait3A_28 = tpu.memref_slice %arg8[%dma_wait3A_26, %dma_wait3A_27] : memref<500000x32xf32, #tpu.memory_space<hbm>> -> memref<500000x32xf32, #tpu.memory_space<hbm>>
    tpu.wait_indirect_dma semaphore(%arg20 : memref<!tpu.dma_semaphore, #tpu.memory_space<semaphore_mem>>) src(%dma_wait3A_28 : memref<500000x32xf32, #tpu.memory_space<hbm>>) dst(%arg19 : memref<512x32xf32, #tpu.memory_space<vmem>>)
    "tpu.region"() ({
      %run_scoped3A = tpu.sem_alloc : memref<!tpu.dma_semaphore, #tpu.memory_space<semaphore_mem>>
      %dma_start3A_30 = arith.constant 0 : i32
      %dma_start3A_31 = tpu.memref_slice %arg12[%add3A_6, %dma_start3A_30] : memref<16384x32xf32, #tpu.memory_space<hbm>> -> memref<512x32xf32, #tpu.memory_space<hbm>>
      %dma_start3A_32 = arith.constant 0 : i32
      %dma_start3A_33 = tpu.memref_slice %arg12[%add3A_6, %dma_start3A_32] : memref<16384x32xf32, #tpu.memory_space<hbm>> -> memref<512x32xf32, #tpu.memory_space<hbm>>
      tpu.enqueue_dma source(%arg19 : memref<512x32xf32, #tpu.memory_space<vmem>>) target(%dma_start3A_33 : memref<512x32xf32, #tpu.memory_space<hbm>>) target_semaphore(%run_scoped3A : memref<!tpu.dma_semaphore, #tpu.memory_space<semaphore_mem>>)
      %dma_wait3A_34 = arith.constant 0 : i32
      %dma_wait3A_35 = tpu.memref_slice %arg12[%add3A_6, %dma_wait3A_34] : memref<16384x32xf32, #tpu.memory_space<hbm>> -> memref<512x32xf32, #tpu.memory_space<hbm>>
      %dma_wait3A_36 = arith.constant 0 : i32
      %dma_wait3A_37 = tpu.memref_slice %arg12[%add3A_6, %dma_wait3A_36] : memref<16384x32xf32, #tpu.memory_space<hbm>> -> memref<512x32xf32, #tpu.memory_space<hbm>>
      tpu.wait_dma2 semaphore(%run_scoped3A : memref<!tpu.dma_semaphore, #tpu.memory_space<semaphore_mem>>) src(%arg19 : memref<512x32xf32, #tpu.memory_space<vmem>>) dst(%dma_wait3A_37 : memref<512x32xf32, #tpu.memory_space<hbm>>)
      tpu.yield
    }) : () -> ()
    %scan3A_29 = arith.constant 1 : i32
    return
  }
}

module attributes {stable_mosaic.version = 14 : i64} {
  func.func @body(%arg0: i32, %arg1: memref<256x32xf32, #tpu.memory_space<vmem>>, %arg2: memref<256x32xf32, #tpu.memory_space<vmem>>, %arg3: memref<2048x32xf32, #tpu.memory_space<vmem>>, %arg4: memref<2048x128xi32, #tpu.memory_space<vmem>>, %arg5: memref<256x8xi32, #tpu.memory_space<vmem>>, %arg6: memref<256x64xi32, #tpu.memory_space<vmem>>, %arg7: memref<33x32xf32, #tpu.memory_space<vmem>>, %arg8: memref<32x32xf32, #tpu.memory_space<vmem>>, %arg9: memref<32x32xf32, #tpu.memory_space<vmem>>, %arg10: memref<1x32xf32, #tpu.memory_space<vmem>>, %arg11: memref<256xf32, #tpu.memory_space<vmem>>) attributes {dimension_semantics = [#tpu.dimension_semantics<arbitrary>], iteration_bounds = array<i64: 64>, scalar_prefetch = 0 : i64, scratch_operands = 0 : i64, tpu.core_type = #tpu.core_type<tc>, window_params = [{transform_indices = @transform_0, window_bounds = array<i64: 256, 32>}, {transform_indices = @transform_1, window_bounds = array<i64: 256, 32>}, {transform_indices = @transform_2, window_bounds = array<i64: 2048, 32>}, {transform_indices = @transform_3, window_bounds = array<i64: 2048, 128>}, {transform_indices = @transform_4, window_bounds = array<i64: 256, 8>}, {transform_indices = @transform_5, window_bounds = array<i64: 256, 64>}, {pipeline_mode = #tpu.pipeline_mode<synchronous>, transform_indices = @transform_6, window_bounds = array<i64: 33, 32>}, {pipeline_mode = #tpu.pipeline_mode<synchronous>, transform_indices = @transform_7, window_bounds = array<i64: 32, 32>}, {pipeline_mode = #tpu.pipeline_mode<synchronous>, transform_indices = @transform_8, window_bounds = array<i64: 32, 32>}, {pipeline_mode = #tpu.pipeline_mode<synchronous>, transform_indices = @transform_9, window_bounds = array<i64: 1, 32>}, {transform_indices = @transform_10, window_bounds = array<i64: 256>}]} {
    %get3A = arith.constant 0 : index
    %get3A_0 = arith.constant 0 : index
    %get3A_1 = vector.load %arg1[%get3A, %get3A_0] : memref<256x32xf32, #tpu.memory_space<vmem>>, vector<256x32xf32>
    %get3A_2 = arith.constant 0 : index
    %get3A_3 = arith.constant 0 : index
    %get3A_4 = vector.load %arg7[%get3A_2, %get3A_3] : memref<33x32xf32, #tpu.memory_space<vmem>>, vector<33x32xf32>
    %get3A_5 = arith.constant 0 : index
    %get3A_6 = arith.constant 0 : index
    %get3A_7 = vector.load %arg8[%get3A_5, %get3A_6] : memref<32x32xf32, #tpu.memory_space<vmem>>, vector<32x32xf32>
    %get3A_8 = arith.constant 0 : index
    %get3A_9 = arith.constant 0 : index
    %get3A_10 = vector.load %arg9[%get3A_8, %get3A_9] : memref<32x32xf32, #tpu.memory_space<vmem>>, vector<32x32xf32>
    %get3A_11 = arith.constant 0 : index
    %get3A_12 = arith.constant 0 : index
    %get3A_13 = vector.load %arg10[%get3A_11, %get3A_12] : memref<1x32xf32, #tpu.memory_space<vmem>>, vector<1x32xf32>
    %transpose3A = tpu.transpose %get3A_4, [1, 0] : vector<33x32xf32> -> vector<32x33xf32>
    %dot_general3A = arith.constant dense<0.000000e+00> : vector<256x33xf32>
    %dot_general3A_14 = tpu.matmul %get3A_1, %transpose3A, %dot_general3A {dimension_numbers = #tpu.dot_dimension_numbers<[1], [0], [0], [1], [0, 0, 1, 1], [], []>, transpose_lhs_hint = false} : vector<256x32xf32>, vector<32x33xf32>, vector<256x33xf32> -> vector<256x33xf32>
    %get3A_15 = arith.constant 0 : index
    %get3A_16 = arith.constant 0 : index
    %get3A_17 = vector.load %arg5[%get3A_15, %get3A_16] : memref<256x8xi32, #tpu.memory_space<vmem>>, vector<256x8xi32>
    %get3A_18 = arith.constant 0 : index
    %get3A_19 = arith.constant 0 : index
    %get3A_20 = vector.load %arg6[%get3A_18, %get3A_19] : memref<256x64xi32, #tpu.memory_space<vmem>>, vector<256x64xi32>
    %broadcast_in_dim3A = arith.constant 0.000000e+00 : f32
    %broadcast_in_dim3A_21 = vector.broadcast %broadcast_in_dim3A : f32 to vector<256x8xf32>
    %broadcast_in_dim3A_22 = arith.constant 0.000000e+00 : f32
    %broadcast_in_dim3A_23 = vector.broadcast %broadcast_in_dim3A_22 : f32 to vector<256x64xf32>
    %slice3A = vector.extract_strided_slice %dot_general3A_14 {offsets = [0, 0], sizes = [256, 1], strides = [1, 1]} : vector<256x33xf32> to vector<256x1xf32>
    %squeeze3A = vector.shape_cast %slice3A : vector<256x1xf32> to vector<256xf32>
    %broadcast_in_dim3A_24 = vector.shape_cast %squeeze3A : vector<256xf32> to vector<256x1xf32>
    %eq3A = arith.constant 0 : i32
    %eq3A_25 = vector.broadcast %eq3A : i32 to vector<256x8xi32>
    %eq3A_26 = arith.cmpi eq, %get3A_17, %eq3A_25 : vector<256x8xi32>
    %jit3A = arith.constant 0.000000e+00 : f32
    %broadcast_in_dim3A_27 = vector.shape_cast %broadcast_in_dim3A_24 : vector<256x1xf32> to vector<256x1xf32>
    %broadcast_in_dim3A_28 = vector.broadcast %broadcast_in_dim3A_27 : vector<256x1xf32> to vector<256x8xf32>
    %broadcast_in_dim3A_29 = vector.broadcast %jit3A : f32 to vector<256x8xf32>
    %select_n3A = arith.select %eq3A_26, %broadcast_in_dim3A_28, %broadcast_in_dim3A_29 : vector<256x8xi1>, vector<256x8xf32>
    %add3A = arith.addf %broadcast_in_dim3A_21, %select_n3A : vector<256x8xf32>
    %eq3A_30 = arith.constant 0 : i32
    %eq3A_31 = vector.broadcast %eq3A_30 : i32 to vector<256x64xi32>
    %eq3A_32 = arith.cmpi eq, %get3A_20, %eq3A_31 : vector<256x64xi32>
    %jit3A_33 = arith.constant 0.000000e+00 : f32
    %broadcast_in_dim3A_34 = vector.shape_cast %broadcast_in_dim3A_24 : vector<256x1xf32> to vector<256x1xf32>
    %broadcast_in_dim3A_35 = vector.broadcast %broadcast_in_dim3A_34 : vector<256x1xf32> to vector<256x64xf32>
    %broadcast_in_dim3A_36 = vector.broadcast %jit3A_33 : f32 to vector<256x64xf32>
    %select_n3A_37 = arith.select %eq3A_32, %broadcast_in_dim3A_35, %broadcast_in_dim3A_36 : vector<256x64xi1>, vector<256x64xf32>
    %add3A_38 = arith.addf %broadcast_in_dim3A_23, %select_n3A_37 : vector<256x64xf32>
    %slice3A_39 = vector.extract_strided_slice %dot_general3A_14 {offsets = [0, 1], sizes = [256, 1], strides = [1, 1]} : vector<256x33xf32> to vector<256x1xf32>
    %squeeze3A_40 = vector.shape_cast %slice3A_39 : vector<256x1xf32> to vector<256xf32>
    %broadcast_in_dim3A_41 = vector.shape_cast %squeeze3A_40 : vector<256xf32> to vector<256x1xf32>
    %eq3A_42 = arith.constant 1 : i32
    %eq3A_43 = vector.broadcast %eq3A_42 : i32 to vector<256x8xi32>
    %eq3A_44 = arith.cmpi eq, %get3A_17, %eq3A_43 : vector<256x8xi32>
    %jit3A_45 = arith.constant 0.000000e+00 : f32
    %broadcast_in_dim3A_46 = vector.shape_cast %broadcast_in_dim3A_41 : vector<256x1xf32> to vector<256x1xf32>
    %broadcast_in_dim3A_47 = vector.broadcast %broadcast_in_dim3A_46 : vector<256x1xf32> to vector<256x8xf32>
    %broadcast_in_dim3A_48 = vector.broadcast %jit3A_45 : f32 to vector<256x8xf32>
    %select_n3A_49 = arith.select %eq3A_44, %broadcast_in_dim3A_47, %broadcast_in_dim3A_48 : vector<256x8xi1>, vector<256x8xf32>
    %add3A_50 = arith.addf %add3A, %select_n3A_49 : vector<256x8xf32>
    %eq3A_51 = arith.constant 1 : i32
    %eq3A_52 = vector.broadcast %eq3A_51 : i32 to vector<256x64xi32>
    %eq3A_53 = arith.cmpi eq, %get3A_20, %eq3A_52 : vector<256x64xi32>
    %jit3A_54 = arith.constant 0.000000e+00 : f32
    %broadcast_in_dim3A_55 = vector.shape_cast %broadcast_in_dim3A_41 : vector<256x1xf32> to vector<256x1xf32>
    %broadcast_in_dim3A_56 = vector.broadcast %broadcast_in_dim3A_55 : vector<256x1xf32> to vector<256x64xf32>
    %broadcast_in_dim3A_57 = vector.broadcast %jit3A_54 : f32 to vector<256x64xf32>
    %select_n3A_58 = arith.select %eq3A_53, %broadcast_in_dim3A_56, %broadcast_in_dim3A_57 : vector<256x64xi1>, vector<256x64xf32>
    %add3A_59 = arith.addf %add3A_38, %select_n3A_58 : vector<256x64xf32>
    %slice3A_60 = vector.extract_strided_slice %dot_general3A_14 {offsets = [0, 2], sizes = [256, 1], strides = [1, 1]} : vector<256x33xf32> to vector<256x1xf32>
    %squeeze3A_61 = vector.shape_cast %slice3A_60 : vector<256x1xf32> to vector<256xf32>
    %broadcast_in_dim3A_62 = vector.shape_cast %squeeze3A_61 : vector<256xf32> to vector<256x1xf32>
    %eq3A_63 = arith.constant 2 : i32
    %eq3A_64 = vector.broadcast %eq3A_63 : i32 to vector<256x8xi32>
    %eq3A_65 = arith.cmpi eq, %get3A_17, %eq3A_64 : vector<256x8xi32>
    %jit3A_66 = arith.constant 0.000000e+00 : f32
    %broadcast_in_dim3A_67 = vector.shape_cast %broadcast_in_dim3A_62 : vector<256x1xf32> to vector<256x1xf32>
    %broadcast_in_dim3A_68 = vector.broadcast %broadcast_in_dim3A_67 : vector<256x1xf32> to vector<256x8xf32>
    %broadcast_in_dim3A_69 = vector.broadcast %jit3A_66 : f32 to vector<256x8xf32>
    %select_n3A_70 = arith.select %eq3A_65, %broadcast_in_dim3A_68, %broadcast_in_dim3A_69 : vector<256x8xi1>, vector<256x8xf32>
    %add3A_71 = arith.addf %add3A_50, %select_n3A_70 : vector<256x8xf32>
    %eq3A_72 = arith.constant 2 : i32
    %eq3A_73 = vector.broadcast %eq3A_72 : i32 to vector<256x64xi32>
    %eq3A_74 = arith.cmpi eq, %get3A_20, %eq3A_73 : vector<256x64xi32>
    %jit3A_75 = arith.constant 0.000000e+00 : f32
    %broadcast_in_dim3A_76 = vector.shape_cast %broadcast_in_dim3A_62 : vector<256x1xf32> to vector<256x1xf32>
    %broadcast_in_dim3A_77 = vector.broadcast %broadcast_in_dim3A_76 : vector<256x1xf32> to vector<256x64xf32>
    %broadcast_in_dim3A_78 = vector.broadcast %jit3A_75 : f32 to vector<256x64xf32>
    %select_n3A_79 = arith.select %eq3A_74, %broadcast_in_dim3A_77, %broadcast_in_dim3A_78 : vector<256x64xi1>, vector<256x64xf32>
    %add3A_80 = arith.addf %add3A_59, %select_n3A_79 : vector<256x64xf32>
    %slice3A_81 = vector.extract_strided_slice %dot_general3A_14 {offsets = [0, 3], sizes = [256, 1], strides = [1, 1]} : vector<256x33xf32> to vector<256x1xf32>
    %squeeze3A_82 = vector.shape_cast %slice3A_81 : vector<256x1xf32> to vector<256xf32>
    %broadcast_in_dim3A_83 = vector.shape_cast %squeeze3A_82 : vector<256xf32> to vector<256x1xf32>
    %eq3A_84 = arith.constant 3 : i32
    %eq3A_85 = vector.broadcast %eq3A_84 : i32 to vector<256x8xi32>
    %eq3A_86 = arith.cmpi eq, %get3A_17, %eq3A_85 : vector<256x8xi32>
    %jit3A_87 = arith.constant 0.000000e+00 : f32
    %broadcast_in_dim3A_88 = vector.shape_cast %broadcast_in_dim3A_83 : vector<256x1xf32> to vector<256x1xf32>
    %broadcast_in_dim3A_89 = vector.broadcast %broadcast_in_dim3A_88 : vector<256x1xf32> to vector<256x8xf32>
    %broadcast_in_dim3A_90 = vector.broadcast %jit3A_87 : f32 to vector<256x8xf32>
    %select_n3A_91 = arith.select %eq3A_86, %broadcast_in_dim3A_89, %broadcast_in_dim3A_90 : vector<256x8xi1>, vector<256x8xf32>
    %add3A_92 = arith.addf %add3A_71, %select_n3A_91 : vector<256x8xf32>
    %eq3A_93 = arith.constant 3 : i32
    %eq3A_94 = vector.broadcast %eq3A_93 : i32 to vector<256x64xi32>
    %eq3A_95 = arith.cmpi eq, %get3A_20, %eq3A_94 : vector<256x64xi32>
    %jit3A_96 = arith.constant 0.000000e+00 : f32
    %broadcast_in_dim3A_97 = vector.shape_cast %broadcast_in_dim3A_83 : vector<256x1xf32> to vector<256x1xf32>
    %broadcast_in_dim3A_98 = vector.broadcast %broadcast_in_dim3A_97 : vector<256x1xf32> to vector<256x64xf32>
    %broadcast_in_dim3A_99 = vector.broadcast %jit3A_96 : f32 to vector<256x64xf32>
    %select_n3A_100 = arith.select %eq3A_95, %broadcast_in_dim3A_98, %broadcast_in_dim3A_99 : vector<256x64xi1>, vector<256x64xf32>
    %add3A_101 = arith.addf %add3A_80, %select_n3A_100 : vector<256x64xf32>
    %slice3A_102 = vector.extract_strided_slice %dot_general3A_14 {offsets = [0, 4], sizes = [256, 1], strides = [1, 1]} : vector<256x33xf32> to vector<256x1xf32>
    %squeeze3A_103 = vector.shape_cast %slice3A_102 : vector<256x1xf32> to vector<256xf32>
    %broadcast_in_dim3A_104 = vector.shape_cast %squeeze3A_103 : vector<256xf32> to vector<256x1xf32>
    %eq3A_105 = arith.constant 4 : i32
    %eq3A_106 = vector.broadcast %eq3A_105 : i32 to vector<256x8xi32>
    %eq3A_107 = arith.cmpi eq, %get3A_17, %eq3A_106 : vector<256x8xi32>
    %jit3A_108 = arith.constant 0.000000e+00 : f32
    %broadcast_in_dim3A_109 = vector.shape_cast %broadcast_in_dim3A_104 : vector<256x1xf32> to vector<256x1xf32>
    %broadcast_in_dim3A_110 = vector.broadcast %broadcast_in_dim3A_109 : vector<256x1xf32> to vector<256x8xf32>
    %broadcast_in_dim3A_111 = vector.broadcast %jit3A_108 : f32 to vector<256x8xf32>
    %select_n3A_112 = arith.select %eq3A_107, %broadcast_in_dim3A_110, %broadcast_in_dim3A_111 : vector<256x8xi1>, vector<256x8xf32>
    %add3A_113 = arith.addf %add3A_92, %select_n3A_112 : vector<256x8xf32>
    %eq3A_114 = arith.constant 4 : i32
    %eq3A_115 = vector.broadcast %eq3A_114 : i32 to vector<256x64xi32>
    %eq3A_116 = arith.cmpi eq, %get3A_20, %eq3A_115 : vector<256x64xi32>
    %jit3A_117 = arith.constant 0.000000e+00 : f32
    %broadcast_in_dim3A_118 = vector.shape_cast %broadcast_in_dim3A_104 : vector<256x1xf32> to vector<256x1xf32>
    %broadcast_in_dim3A_119 = vector.broadcast %broadcast_in_dim3A_118 : vector<256x1xf32> to vector<256x64xf32>
    %broadcast_in_dim3A_120 = vector.broadcast %jit3A_117 : f32 to vector<256x64xf32>
    %select_n3A_121 = arith.select %eq3A_116, %broadcast_in_dim3A_119, %broadcast_in_dim3A_120 : vector<256x64xi1>, vector<256x64xf32>
    %add3A_122 = arith.addf %add3A_101, %select_n3A_121 : vector<256x64xf32>
    %slice3A_123 = vector.extract_strided_slice %dot_general3A_14 {offsets = [0, 5], sizes = [256, 1], strides = [1, 1]} : vector<256x33xf32> to vector<256x1xf32>
    %squeeze3A_124 = vector.shape_cast %slice3A_123 : vector<256x1xf32> to vector<256xf32>
    %broadcast_in_dim3A_125 = vector.shape_cast %squeeze3A_124 : vector<256xf32> to vector<256x1xf32>
    %eq3A_126 = arith.constant 5 : i32
    %eq3A_127 = vector.broadcast %eq3A_126 : i32 to vector<256x8xi32>
    %eq3A_128 = arith.cmpi eq, %get3A_17, %eq3A_127 : vector<256x8xi32>
    %jit3A_129 = arith.constant 0.000000e+00 : f32
    %broadcast_in_dim3A_130 = vector.shape_cast %broadcast_in_dim3A_125 : vector<256x1xf32> to vector<256x1xf32>
    %broadcast_in_dim3A_131 = vector.broadcast %broadcast_in_dim3A_130 : vector<256x1xf32> to vector<256x8xf32>
    %broadcast_in_dim3A_132 = vector.broadcast %jit3A_129 : f32 to vector<256x8xf32>
    %select_n3A_133 = arith.select %eq3A_128, %broadcast_in_dim3A_131, %broadcast_in_dim3A_132 : vector<256x8xi1>, vector<256x8xf32>
    %add3A_134 = arith.addf %add3A_113, %select_n3A_133 : vector<256x8xf32>
    %eq3A_135 = arith.constant 5 : i32
    %eq3A_136 = vector.broadcast %eq3A_135 : i32 to vector<256x64xi32>
    %eq3A_137 = arith.cmpi eq, %get3A_20, %eq3A_136 : vector<256x64xi32>
    %jit3A_138 = arith.constant 0.000000e+00 : f32
    %broadcast_in_dim3A_139 = vector.shape_cast %broadcast_in_dim3A_125 : vector<256x1xf32> to vector<256x1xf32>
    %broadcast_in_dim3A_140 = vector.broadcast %broadcast_in_dim3A_139 : vector<256x1xf32> to vector<256x64xf32>
    %broadcast_in_dim3A_141 = vector.broadcast %jit3A_138 : f32 to vector<256x64xf32>
    %select_n3A_142 = arith.select %eq3A_137, %broadcast_in_dim3A_140, %broadcast_in_dim3A_141 : vector<256x64xi1>, vector<256x64xf32>
    %add3A_143 = arith.addf %add3A_122, %select_n3A_142 : vector<256x64xf32>
    %slice3A_144 = vector.extract_strided_slice %dot_general3A_14 {offsets = [0, 6], sizes = [256, 1], strides = [1, 1]} : vector<256x33xf32> to vector<256x1xf32>
    %squeeze3A_145 = vector.shape_cast %slice3A_144 : vector<256x1xf32> to vector<256xf32>
    %broadcast_in_dim3A_146 = vector.shape_cast %squeeze3A_145 : vector<256xf32> to vector<256x1xf32>
    %eq3A_147 = arith.constant 6 : i32
    %eq3A_148 = vector.broadcast %eq3A_147 : i32 to vector<256x8xi32>
    %eq3A_149 = arith.cmpi eq, %get3A_17, %eq3A_148 : vector<256x8xi32>
    %jit3A_150 = arith.constant 0.000000e+00 : f32
    %broadcast_in_dim3A_151 = vector.shape_cast %broadcast_in_dim3A_146 : vector<256x1xf32> to vector<256x1xf32>
    %broadcast_in_dim3A_152 = vector.broadcast %broadcast_in_dim3A_151 : vector<256x1xf32> to vector<256x8xf32>
    %broadcast_in_dim3A_153 = vector.broadcast %jit3A_150 : f32 to vector<256x8xf32>
    %select_n3A_154 = arith.select %eq3A_149, %broadcast_in_dim3A_152, %broadcast_in_dim3A_153 : vector<256x8xi1>, vector<256x8xf32>
    %add3A_155 = arith.addf %add3A_134, %select_n3A_154 : vector<256x8xf32>
    %eq3A_156 = arith.constant 6 : i32
    %eq3A_157 = vector.broadcast %eq3A_156 : i32 to vector<256x64xi32>
    %eq3A_158 = arith.cmpi eq, %get3A_20, %eq3A_157 : vector<256x64xi32>
    %jit3A_159 = arith.constant 0.000000e+00 : f32
    %broadcast_in_dim3A_160 = vector.shape_cast %broadcast_in_dim3A_146 : vector<256x1xf32> to vector<256x1xf32>
    %broadcast_in_dim3A_161 = vector.broadcast %broadcast_in_dim3A_160 : vector<256x1xf32> to vector<256x64xf32>
    %broadcast_in_dim3A_162 = vector.broadcast %jit3A_159 : f32 to vector<256x64xf32>
    %select_n3A_163 = arith.select %eq3A_158, %broadcast_in_dim3A_161, %broadcast_in_dim3A_162 : vector<256x64xi1>, vector<256x64xf32>
    %add3A_164 = arith.addf %add3A_143, %select_n3A_163 : vector<256x64xf32>
    %slice3A_165 = vector.extract_strided_slice %dot_general3A_14 {offsets = [0, 7], sizes = [256, 1], strides = [1, 1]} : vector<256x33xf32> to vector<256x1xf32>
    %squeeze3A_166 = vector.shape_cast %slice3A_165 : vector<256x1xf32> to vector<256xf32>
    %broadcast_in_dim3A_167 = vector.shape_cast %squeeze3A_166 : vector<256xf32> to vector<256x1xf32>
    %eq3A_168 = arith.constant 7 : i32
    %eq3A_169 = vector.broadcast %eq3A_168 : i32 to vector<256x8xi32>
    %eq3A_170 = arith.cmpi eq, %get3A_17, %eq3A_169 : vector<256x8xi32>
    %jit3A_171 = arith.constant 0.000000e+00 : f32
    %broadcast_in_dim3A_172 = vector.shape_cast %broadcast_in_dim3A_167 : vector<256x1xf32> to vector<256x1xf32>
    %broadcast_in_dim3A_173 = vector.broadcast %broadcast_in_dim3A_172 : vector<256x1xf32> to vector<256x8xf32>
    %broadcast_in_dim3A_174 = vector.broadcast %jit3A_171 : f32 to vector<256x8xf32>
    %select_n3A_175 = arith.select %eq3A_170, %broadcast_in_dim3A_173, %broadcast_in_dim3A_174 : vector<256x8xi1>, vector<256x8xf32>
    %add3A_176 = arith.addf %add3A_155, %select_n3A_175 : vector<256x8xf32>
    %eq3A_177 = arith.constant 7 : i32
    %eq3A_178 = vector.broadcast %eq3A_177 : i32 to vector<256x64xi32>
    %eq3A_179 = arith.cmpi eq, %get3A_20, %eq3A_178 : vector<256x64xi32>
    %jit3A_180 = arith.constant 0.000000e+00 : f32
    %broadcast_in_dim3A_181 = vector.shape_cast %broadcast_in_dim3A_167 : vector<256x1xf32> to vector<256x1xf32>
    %broadcast_in_dim3A_182 = vector.broadcast %broadcast_in_dim3A_181 : vector<256x1xf32> to vector<256x64xf32>
    %broadcast_in_dim3A_183 = vector.broadcast %jit3A_180 : f32 to vector<256x64xf32>
    %select_n3A_184 = arith.select %eq3A_179, %broadcast_in_dim3A_182, %broadcast_in_dim3A_183 : vector<256x64xi1>, vector<256x64xf32>
    %add3A_185 = arith.addf %add3A_164, %select_n3A_184 : vector<256x64xf32>
    %slice3A_186 = vector.extract_strided_slice %dot_general3A_14 {offsets = [0, 8], sizes = [256, 1], strides = [1, 1]} : vector<256x33xf32> to vector<256x1xf32>
    %squeeze3A_187 = vector.shape_cast %slice3A_186 : vector<256x1xf32> to vector<256xf32>
    %broadcast_in_dim3A_188 = vector.shape_cast %squeeze3A_187 : vector<256xf32> to vector<256x1xf32>
    %eq3A_189 = arith.constant 8 : i32
    %eq3A_190 = vector.broadcast %eq3A_189 : i32 to vector<256x8xi32>
    %eq3A_191 = arith.cmpi eq, %get3A_17, %eq3A_190 : vector<256x8xi32>
    %jit3A_192 = arith.constant 0.000000e+00 : f32
    %broadcast_in_dim3A_193 = vector.shape_cast %broadcast_in_dim3A_188 : vector<256x1xf32> to vector<256x1xf32>
    %broadcast_in_dim3A_194 = vector.broadcast %broadcast_in_dim3A_193 : vector<256x1xf32> to vector<256x8xf32>
    %broadcast_in_dim3A_195 = vector.broadcast %jit3A_192 : f32 to vector<256x8xf32>
    %select_n3A_196 = arith.select %eq3A_191, %broadcast_in_dim3A_194, %broadcast_in_dim3A_195 : vector<256x8xi1>, vector<256x8xf32>
    %add3A_197 = arith.addf %add3A_176, %select_n3A_196 : vector<256x8xf32>
    %eq3A_198 = arith.constant 8 : i32
    %eq3A_199 = vector.broadcast %eq3A_198 : i32 to vector<256x64xi32>
    %eq3A_200 = arith.cmpi eq, %get3A_20, %eq3A_199 : vector<256x64xi32>
    %jit3A_201 = arith.constant 0.000000e+00 : f32
    %broadcast_in_dim3A_202 = vector.shape_cast %broadcast_in_dim3A_188 : vector<256x1xf32> to vector<256x1xf32>
    %broadcast_in_dim3A_203 = vector.broadcast %broadcast_in_dim3A_202 : vector<256x1xf32> to vector<256x64xf32>
    %broadcast_in_dim3A_204 = vector.broadcast %jit3A_201 : f32 to vector<256x64xf32>
    %select_n3A_205 = arith.select %eq3A_200, %broadcast_in_dim3A_203, %broadcast_in_dim3A_204 : vector<256x64xi1>, vector<256x64xf32>
    %add3A_206 = arith.addf %add3A_185, %select_n3A_205 : vector<256x64xf32>
    %slice3A_207 = vector.extract_strided_slice %dot_general3A_14 {offsets = [0, 9], sizes = [256, 1], strides = [1, 1]} : vector<256x33xf32> to vector<256x1xf32>
    %squeeze3A_208 = vector.shape_cast %slice3A_207 : vector<256x1xf32> to vector<256xf32>
    %broadcast_in_dim3A_209 = vector.shape_cast %squeeze3A_208 : vector<256xf32> to vector<256x1xf32>
    %eq3A_210 = arith.constant 9 : i32
    %eq3A_211 = vector.broadcast %eq3A_210 : i32 to vector<256x8xi32>
    %eq3A_212 = arith.cmpi eq, %get3A_17, %eq3A_211 : vector<256x8xi32>
    %jit3A_213 = arith.constant 0.000000e+00 : f32
    %broadcast_in_dim3A_214 = vector.shape_cast %broadcast_in_dim3A_209 : vector<256x1xf32> to vector<256x1xf32>
    %broadcast_in_dim3A_215 = vector.broadcast %broadcast_in_dim3A_214 : vector<256x1xf32> to vector<256x8xf32>
    %broadcast_in_dim3A_216 = vector.broadcast %jit3A_213 : f32 to vector<256x8xf32>
    %select_n3A_217 = arith.select %eq3A_212, %broadcast_in_dim3A_215, %broadcast_in_dim3A_216 : vector<256x8xi1>, vector<256x8xf32>
    %add3A_218 = arith.addf %add3A_197, %select_n3A_217 : vector<256x8xf32>
    %eq3A_219 = arith.constant 9 : i32
    %eq3A_220 = vector.broadcast %eq3A_219 : i32 to vector<256x64xi32>
    %eq3A_221 = arith.cmpi eq, %get3A_20, %eq3A_220 : vector<256x64xi32>
    %jit3A_222 = arith.constant 0.000000e+00 : f32
    %broadcast_in_dim3A_223 = vector.shape_cast %broadcast_in_dim3A_209 : vector<256x1xf32> to vector<256x1xf32>
    %broadcast_in_dim3A_224 = vector.broadcast %broadcast_in_dim3A_223 : vector<256x1xf32> to vector<256x64xf32>
    %broadcast_in_dim3A_225 = vector.broadcast %jit3A_222 : f32 to vector<256x64xf32>
    %select_n3A_226 = arith.select %eq3A_221, %broadcast_in_dim3A_224, %broadcast_in_dim3A_225 : vector<256x64xi1>, vector<256x64xf32>
    %add3A_227 = arith.addf %add3A_206, %select_n3A_226 : vector<256x64xf32>
    %slice3A_228 = vector.extract_strided_slice %dot_general3A_14 {offsets = [0, 10], sizes = [256, 1], strides = [1, 1]} : vector<256x33xf32> to vector<256x1xf32>
    %squeeze3A_229 = vector.shape_cast %slice3A_228 : vector<256x1xf32> to vector<256xf32>
    %broadcast_in_dim3A_230 = vector.shape_cast %squeeze3A_229 : vector<256xf32> to vector<256x1xf32>
    %eq3A_231 = arith.constant 10 : i32
    %eq3A_232 = vector.broadcast %eq3A_231 : i32 to vector<256x8xi32>
    %eq3A_233 = arith.cmpi eq, %get3A_17, %eq3A_232 : vector<256x8xi32>
    %jit3A_234 = arith.constant 0.000000e+00 : f32
    %broadcast_in_dim3A_235 = vector.shape_cast %broadcast_in_dim3A_230 : vector<256x1xf32> to vector<256x1xf32>
    %broadcast_in_dim3A_236 = vector.broadcast %broadcast_in_dim3A_235 : vector<256x1xf32> to vector<256x8xf32>
    %broadcast_in_dim3A_237 = vector.broadcast %jit3A_234 : f32 to vector<256x8xf32>
    %select_n3A_238 = arith.select %eq3A_233, %broadcast_in_dim3A_236, %broadcast_in_dim3A_237 : vector<256x8xi1>, vector<256x8xf32>
    %add3A_239 = arith.addf %add3A_218, %select_n3A_238 : vector<256x8xf32>
    %eq3A_240 = arith.constant 10 : i32
    %eq3A_241 = vector.broadcast %eq3A_240 : i32 to vector<256x64xi32>
    %eq3A_242 = arith.cmpi eq, %get3A_20, %eq3A_241 : vector<256x64xi32>
    %jit3A_243 = arith.constant 0.000000e+00 : f32
    %broadcast_in_dim3A_244 = vector.shape_cast %broadcast_in_dim3A_230 : vector<256x1xf32> to vector<256x1xf32>
    %broadcast_in_dim3A_245 = vector.broadcast %broadcast_in_dim3A_244 : vector<256x1xf32> to vector<256x64xf32>
    %broadcast_in_dim3A_246 = vector.broadcast %jit3A_243 : f32 to vector<256x64xf32>
    %select_n3A_247 = arith.select %eq3A_242, %broadcast_in_dim3A_245, %broadcast_in_dim3A_246 : vector<256x64xi1>, vector<256x64xf32>
    %add3A_248 = arith.addf %add3A_227, %select_n3A_247 : vector<256x64xf32>
    %slice3A_249 = vector.extract_strided_slice %dot_general3A_14 {offsets = [0, 11], sizes = [256, 1], strides = [1, 1]} : vector<256x33xf32> to vector<256x1xf32>
    %squeeze3A_250 = vector.shape_cast %slice3A_249 : vector<256x1xf32> to vector<256xf32>
    %broadcast_in_dim3A_251 = vector.shape_cast %squeeze3A_250 : vector<256xf32> to vector<256x1xf32>
    %eq3A_252 = arith.constant 11 : i32
    %eq3A_253 = vector.broadcast %eq3A_252 : i32 to vector<256x8xi32>
    %eq3A_254 = arith.cmpi eq, %get3A_17, %eq3A_253 : vector<256x8xi32>
    %jit3A_255 = arith.constant 0.000000e+00 : f32
    %broadcast_in_dim3A_256 = vector.shape_cast %broadcast_in_dim3A_251 : vector<256x1xf32> to vector<256x1xf32>
    %broadcast_in_dim3A_257 = vector.broadcast %broadcast_in_dim3A_256 : vector<256x1xf32> to vector<256x8xf32>
    %broadcast_in_dim3A_258 = vector.broadcast %jit3A_255 : f32 to vector<256x8xf32>
    %select_n3A_259 = arith.select %eq3A_254, %broadcast_in_dim3A_257, %broadcast_in_dim3A_258 : vector<256x8xi1>, vector<256x8xf32>
    %add3A_260 = arith.addf %add3A_239, %select_n3A_259 : vector<256x8xf32>
    %eq3A_261 = arith.constant 11 : i32
    %eq3A_262 = vector.broadcast %eq3A_261 : i32 to vector<256x64xi32>
    %eq3A_263 = arith.cmpi eq, %get3A_20, %eq3A_262 : vector<256x64xi32>
    %jit3A_264 = arith.constant 0.000000e+00 : f32
    %broadcast_in_dim3A_265 = vector.shape_cast %broadcast_in_dim3A_251 : vector<256x1xf32> to vector<256x1xf32>
    %broadcast_in_dim3A_266 = vector.broadcast %broadcast_in_dim3A_265 : vector<256x1xf32> to vector<256x64xf32>
    %broadcast_in_dim3A_267 = vector.broadcast %jit3A_264 : f32 to vector<256x64xf32>
    %select_n3A_268 = arith.select %eq3A_263, %broadcast_in_dim3A_266, %broadcast_in_dim3A_267 : vector<256x64xi1>, vector<256x64xf32>
    %add3A_269 = arith.addf %add3A_248, %select_n3A_268 : vector<256x64xf32>
    %slice3A_270 = vector.extract_strided_slice %dot_general3A_14 {offsets = [0, 12], sizes = [256, 1], strides = [1, 1]} : vector<256x33xf32> to vector<256x1xf32>
    %squeeze3A_271 = vector.shape_cast %slice3A_270 : vector<256x1xf32> to vector<256xf32>
    %broadcast_in_dim3A_272 = vector.shape_cast %squeeze3A_271 : vector<256xf32> to vector<256x1xf32>
    %eq3A_273 = arith.constant 12 : i32
    %eq3A_274 = vector.broadcast %eq3A_273 : i32 to vector<256x8xi32>
    %eq3A_275 = arith.cmpi eq, %get3A_17, %eq3A_274 : vector<256x8xi32>
    %jit3A_276 = arith.constant 0.000000e+00 : f32
    %broadcast_in_dim3A_277 = vector.shape_cast %broadcast_in_dim3A_272 : vector<256x1xf32> to vector<256x1xf32>
    %broadcast_in_dim3A_278 = vector.broadcast %broadcast_in_dim3A_277 : vector<256x1xf32> to vector<256x8xf32>
    %broadcast_in_dim3A_279 = vector.broadcast %jit3A_276 : f32 to vector<256x8xf32>
    %select_n3A_280 = arith.select %eq3A_275, %broadcast_in_dim3A_278, %broadcast_in_dim3A_279 : vector<256x8xi1>, vector<256x8xf32>
    %add3A_281 = arith.addf %add3A_260, %select_n3A_280 : vector<256x8xf32>
    %eq3A_282 = arith.constant 12 : i32
    %eq3A_283 = vector.broadcast %eq3A_282 : i32 to vector<256x64xi32>
    %eq3A_284 = arith.cmpi eq, %get3A_20, %eq3A_283 : vector<256x64xi32>
    %jit3A_285 = arith.constant 0.000000e+00 : f32
    %broadcast_in_dim3A_286 = vector.shape_cast %broadcast_in_dim3A_272 : vector<256x1xf32> to vector<256x1xf32>
    %broadcast_in_dim3A_287 = vector.broadcast %broadcast_in_dim3A_286 : vector<256x1xf32> to vector<256x64xf32>
    %broadcast_in_dim3A_288 = vector.broadcast %jit3A_285 : f32 to vector<256x64xf32>
    %select_n3A_289 = arith.select %eq3A_284, %broadcast_in_dim3A_287, %broadcast_in_dim3A_288 : vector<256x64xi1>, vector<256x64xf32>
    %add3A_290 = arith.addf %add3A_269, %select_n3A_289 : vector<256x64xf32>
    %slice3A_291 = vector.extract_strided_slice %dot_general3A_14 {offsets = [0, 13], sizes = [256, 1], strides = [1, 1]} : vector<256x33xf32> to vector<256x1xf32>
    %squeeze3A_292 = vector.shape_cast %slice3A_291 : vector<256x1xf32> to vector<256xf32>
    %broadcast_in_dim3A_293 = vector.shape_cast %squeeze3A_292 : vector<256xf32> to vector<256x1xf32>
    %eq3A_294 = arith.constant 13 : i32
    %eq3A_295 = vector.broadcast %eq3A_294 : i32 to vector<256x8xi32>
    %eq3A_296 = arith.cmpi eq, %get3A_17, %eq3A_295 : vector<256x8xi32>
    %jit3A_297 = arith.constant 0.000000e+00 : f32
    %broadcast_in_dim3A_298 = vector.shape_cast %broadcast_in_dim3A_293 : vector<256x1xf32> to vector<256x1xf32>
    %broadcast_in_dim3A_299 = vector.broadcast %broadcast_in_dim3A_298 : vector<256x1xf32> to vector<256x8xf32>
    %broadcast_in_dim3A_300 = vector.broadcast %jit3A_297 : f32 to vector<256x8xf32>
    %select_n3A_301 = arith.select %eq3A_296, %broadcast_in_dim3A_299, %broadcast_in_dim3A_300 : vector<256x8xi1>, vector<256x8xf32>
    %add3A_302 = arith.addf %add3A_281, %select_n3A_301 : vector<256x8xf32>
    %eq3A_303 = arith.constant 13 : i32
    %eq3A_304 = vector.broadcast %eq3A_303 : i32 to vector<256x64xi32>
    %eq3A_305 = arith.cmpi eq, %get3A_20, %eq3A_304 : vector<256x64xi32>
    %jit3A_306 = arith.constant 0.000000e+00 : f32
    %broadcast_in_dim3A_307 = vector.shape_cast %broadcast_in_dim3A_293 : vector<256x1xf32> to vector<256x1xf32>
    %broadcast_in_dim3A_308 = vector.broadcast %broadcast_in_dim3A_307 : vector<256x1xf32> to vector<256x64xf32>
    %broadcast_in_dim3A_309 = vector.broadcast %jit3A_306 : f32 to vector<256x64xf32>
    %select_n3A_310 = arith.select %eq3A_305, %broadcast_in_dim3A_308, %broadcast_in_dim3A_309 : vector<256x64xi1>, vector<256x64xf32>
    %add3A_311 = arith.addf %add3A_290, %select_n3A_310 : vector<256x64xf32>
    %slice3A_312 = vector.extract_strided_slice %dot_general3A_14 {offsets = [0, 14], sizes = [256, 1], strides = [1, 1]} : vector<256x33xf32> to vector<256x1xf32>
    %squeeze3A_313 = vector.shape_cast %slice3A_312 : vector<256x1xf32> to vector<256xf32>
    %broadcast_in_dim3A_314 = vector.shape_cast %squeeze3A_313 : vector<256xf32> to vector<256x1xf32>
    %eq3A_315 = arith.constant 14 : i32
    %eq3A_316 = vector.broadcast %eq3A_315 : i32 to vector<256x8xi32>
    %eq3A_317 = arith.cmpi eq, %get3A_17, %eq3A_316 : vector<256x8xi32>
    %jit3A_318 = arith.constant 0.000000e+00 : f32
    %broadcast_in_dim3A_319 = vector.shape_cast %broadcast_in_dim3A_314 : vector<256x1xf32> to vector<256x1xf32>
    %broadcast_in_dim3A_320 = vector.broadcast %broadcast_in_dim3A_319 : vector<256x1xf32> to vector<256x8xf32>
    %broadcast_in_dim3A_321 = vector.broadcast %jit3A_318 : f32 to vector<256x8xf32>
    %select_n3A_322 = arith.select %eq3A_317, %broadcast_in_dim3A_320, %broadcast_in_dim3A_321 : vector<256x8xi1>, vector<256x8xf32>
    %add3A_323 = arith.addf %add3A_302, %select_n3A_322 : vector<256x8xf32>
    %eq3A_324 = arith.constant 14 : i32
    %eq3A_325 = vector.broadcast %eq3A_324 : i32 to vector<256x64xi32>
    %eq3A_326 = arith.cmpi eq, %get3A_20, %eq3A_325 : vector<256x64xi32>
    %jit3A_327 = arith.constant 0.000000e+00 : f32
    %broadcast_in_dim3A_328 = vector.shape_cast %broadcast_in_dim3A_314 : vector<256x1xf32> to vector<256x1xf32>
    %broadcast_in_dim3A_329 = vector.broadcast %broadcast_in_dim3A_328 : vector<256x1xf32> to vector<256x64xf32>
    %broadcast_in_dim3A_330 = vector.broadcast %jit3A_327 : f32 to vector<256x64xf32>
    %select_n3A_331 = arith.select %eq3A_326, %broadcast_in_dim3A_329, %broadcast_in_dim3A_330 : vector<256x64xi1>, vector<256x64xf32>
    %add3A_332 = arith.addf %add3A_311, %select_n3A_331 : vector<256x64xf32>
    %slice3A_333 = vector.extract_strided_slice %dot_general3A_14 {offsets = [0, 15], sizes = [256, 1], strides = [1, 1]} : vector<256x33xf32> to vector<256x1xf32>
    %squeeze3A_334 = vector.shape_cast %slice3A_333 : vector<256x1xf32> to vector<256xf32>
    %broadcast_in_dim3A_335 = vector.shape_cast %squeeze3A_334 : vector<256xf32> to vector<256x1xf32>
    %eq3A_336 = arith.constant 15 : i32
    %eq3A_337 = vector.broadcast %eq3A_336 : i32 to vector<256x8xi32>
    %eq3A_338 = arith.cmpi eq, %get3A_17, %eq3A_337 : vector<256x8xi32>
    %jit3A_339 = arith.constant 0.000000e+00 : f32
    %broadcast_in_dim3A_340 = vector.shape_cast %broadcast_in_dim3A_335 : vector<256x1xf32> to vector<256x1xf32>
    %broadcast_in_dim3A_341 = vector.broadcast %broadcast_in_dim3A_340 : vector<256x1xf32> to vector<256x8xf32>
    %broadcast_in_dim3A_342 = vector.broadcast %jit3A_339 : f32 to vector<256x8xf32>
    %select_n3A_343 = arith.select %eq3A_338, %broadcast_in_dim3A_341, %broadcast_in_dim3A_342 : vector<256x8xi1>, vector<256x8xf32>
    %add3A_344 = arith.addf %add3A_323, %select_n3A_343 : vector<256x8xf32>
    %eq3A_345 = arith.constant 15 : i32
    %eq3A_346 = vector.broadcast %eq3A_345 : i32 to vector<256x64xi32>
    %eq3A_347 = arith.cmpi eq, %get3A_20, %eq3A_346 : vector<256x64xi32>
    %jit3A_348 = arith.constant 0.000000e+00 : f32
    %broadcast_in_dim3A_349 = vector.shape_cast %broadcast_in_dim3A_335 : vector<256x1xf32> to vector<256x1xf32>
    %broadcast_in_dim3A_350 = vector.broadcast %broadcast_in_dim3A_349 : vector<256x1xf32> to vector<256x64xf32>
    %broadcast_in_dim3A_351 = vector.broadcast %jit3A_348 : f32 to vector<256x64xf32>
    %select_n3A_352 = arith.select %eq3A_347, %broadcast_in_dim3A_350, %broadcast_in_dim3A_351 : vector<256x64xi1>, vector<256x64xf32>
    %add3A_353 = arith.addf %add3A_332, %select_n3A_352 : vector<256x64xf32>
    %slice3A_354 = vector.extract_strided_slice %dot_general3A_14 {offsets = [0, 16], sizes = [256, 1], strides = [1, 1]} : vector<256x33xf32> to vector<256x1xf32>
    %squeeze3A_355 = vector.shape_cast %slice3A_354 : vector<256x1xf32> to vector<256xf32>
    %broadcast_in_dim3A_356 = vector.shape_cast %squeeze3A_355 : vector<256xf32> to vector<256x1xf32>
    %eq3A_357 = arith.constant 16 : i32
    %eq3A_358 = vector.broadcast %eq3A_357 : i32 to vector<256x8xi32>
    %eq3A_359 = arith.cmpi eq, %get3A_17, %eq3A_358 : vector<256x8xi32>
    %jit3A_360 = arith.constant 0.000000e+00 : f32
    %broadcast_in_dim3A_361 = vector.shape_cast %broadcast_in_dim3A_356 : vector<256x1xf32> to vector<256x1xf32>
    %broadcast_in_dim3A_362 = vector.broadcast %broadcast_in_dim3A_361 : vector<256x1xf32> to vector<256x8xf32>
    %broadcast_in_dim3A_363 = vector.broadcast %jit3A_360 : f32 to vector<256x8xf32>
    %select_n3A_364 = arith.select %eq3A_359, %broadcast_in_dim3A_362, %broadcast_in_dim3A_363 : vector<256x8xi1>, vector<256x8xf32>
    %add3A_365 = arith.addf %add3A_344, %select_n3A_364 : vector<256x8xf32>
    %eq3A_366 = arith.constant 16 : i32
    %eq3A_367 = vector.broadcast %eq3A_366 : i32 to vector<256x64xi32>
    %eq3A_368 = arith.cmpi eq, %get3A_20, %eq3A_367 : vector<256x64xi32>
    %jit3A_369 = arith.constant 0.000000e+00 : f32
    %broadcast_in_dim3A_370 = vector.shape_cast %broadcast_in_dim3A_356 : vector<256x1xf32> to vector<256x1xf32>
    %broadcast_in_dim3A_371 = vector.broadcast %broadcast_in_dim3A_370 : vector<256x1xf32> to vector<256x64xf32>
    %broadcast_in_dim3A_372 = vector.broadcast %jit3A_369 : f32 to vector<256x64xf32>
    %select_n3A_373 = arith.select %eq3A_368, %broadcast_in_dim3A_371, %broadcast_in_dim3A_372 : vector<256x64xi1>, vector<256x64xf32>
    %add3A_374 = arith.addf %add3A_353, %select_n3A_373 : vector<256x64xf32>
    %slice3A_375 = vector.extract_strided_slice %dot_general3A_14 {offsets = [0, 17], sizes = [256, 1], strides = [1, 1]} : vector<256x33xf32> to vector<256x1xf32>
    %squeeze3A_376 = vector.shape_cast %slice3A_375 : vector<256x1xf32> to vector<256xf32>
    %broadcast_in_dim3A_377 = vector.shape_cast %squeeze3A_376 : vector<256xf32> to vector<256x1xf32>
    %eq3A_378 = arith.constant 17 : i32
    %eq3A_379 = vector.broadcast %eq3A_378 : i32 to vector<256x8xi32>
    %eq3A_380 = arith.cmpi eq, %get3A_17, %eq3A_379 : vector<256x8xi32>
    %jit3A_381 = arith.constant 0.000000e+00 : f32
    %broadcast_in_dim3A_382 = vector.shape_cast %broadcast_in_dim3A_377 : vector<256x1xf32> to vector<256x1xf32>
    %broadcast_in_dim3A_383 = vector.broadcast %broadcast_in_dim3A_382 : vector<256x1xf32> to vector<256x8xf32>
    %broadcast_in_dim3A_384 = vector.broadcast %jit3A_381 : f32 to vector<256x8xf32>
    %select_n3A_385 = arith.select %eq3A_380, %broadcast_in_dim3A_383, %broadcast_in_dim3A_384 : vector<256x8xi1>, vector<256x8xf32>
    %add3A_386 = arith.addf %add3A_365, %select_n3A_385 : vector<256x8xf32>
    %eq3A_387 = arith.constant 17 : i32
    %eq3A_388 = vector.broadcast %eq3A_387 : i32 to vector<256x64xi32>
    %eq3A_389 = arith.cmpi eq, %get3A_20, %eq3A_388 : vector<256x64xi32>
    %jit3A_390 = arith.constant 0.000000e+00 : f32
    %broadcast_in_dim3A_391 = vector.shape_cast %broadcast_in_dim3A_377 : vector<256x1xf32> to vector<256x1xf32>
    %broadcast_in_dim3A_392 = vector.broadcast %broadcast_in_dim3A_391 : vector<256x1xf32> to vector<256x64xf32>
    %broadcast_in_dim3A_393 = vector.broadcast %jit3A_390 : f32 to vector<256x64xf32>
    %select_n3A_394 = arith.select %eq3A_389, %broadcast_in_dim3A_392, %broadcast_in_dim3A_393 : vector<256x64xi1>, vector<256x64xf32>
    %add3A_395 = arith.addf %add3A_374, %select_n3A_394 : vector<256x64xf32>
    %slice3A_396 = vector.extract_strided_slice %dot_general3A_14 {offsets = [0, 18], sizes = [256, 1], strides = [1, 1]} : vector<256x33xf32> to vector<256x1xf32>
    %squeeze3A_397 = vector.shape_cast %slice3A_396 : vector<256x1xf32> to vector<256xf32>
    %broadcast_in_dim3A_398 = vector.shape_cast %squeeze3A_397 : vector<256xf32> to vector<256x1xf32>
    %eq3A_399 = arith.constant 18 : i32
    %eq3A_400 = vector.broadcast %eq3A_399 : i32 to vector<256x8xi32>
    %eq3A_401 = arith.cmpi eq, %get3A_17, %eq3A_400 : vector<256x8xi32>
    %jit3A_402 = arith.constant 0.000000e+00 : f32
    %broadcast_in_dim3A_403 = vector.shape_cast %broadcast_in_dim3A_398 : vector<256x1xf32> to vector<256x1xf32>
    %broadcast_in_dim3A_404 = vector.broadcast %broadcast_in_dim3A_403 : vector<256x1xf32> to vector<256x8xf32>
    %broadcast_in_dim3A_405 = vector.broadcast %jit3A_402 : f32 to vector<256x8xf32>
    %select_n3A_406 = arith.select %eq3A_401, %broadcast_in_dim3A_404, %broadcast_in_dim3A_405 : vector<256x8xi1>, vector<256x8xf32>
    %add3A_407 = arith.addf %add3A_386, %select_n3A_406 : vector<256x8xf32>
    %eq3A_408 = arith.constant 18 : i32
    %eq3A_409 = vector.broadcast %eq3A_408 : i32 to vector<256x64xi32>
    %eq3A_410 = arith.cmpi eq, %get3A_20, %eq3A_409 : vector<256x64xi32>
    %jit3A_411 = arith.constant 0.000000e+00 : f32
    %broadcast_in_dim3A_412 = vector.shape_cast %broadcast_in_dim3A_398 : vector<256x1xf32> to vector<256x1xf32>
    %broadcast_in_dim3A_413 = vector.broadcast %broadcast_in_dim3A_412 : vector<256x1xf32> to vector<256x64xf32>
    %broadcast_in_dim3A_414 = vector.broadcast %jit3A_411 : f32 to vector<256x64xf32>
    %select_n3A_415 = arith.select %eq3A_410, %broadcast_in_dim3A_413, %broadcast_in_dim3A_414 : vector<256x64xi1>, vector<256x64xf32>
    %add3A_416 = arith.addf %add3A_395, %select_n3A_415 : vector<256x64xf32>
    %slice3A_417 = vector.extract_strided_slice %dot_general3A_14 {offsets = [0, 19], sizes = [256, 1], strides = [1, 1]} : vector<256x33xf32> to vector<256x1xf32>
    %squeeze3A_418 = vector.shape_cast %slice3A_417 : vector<256x1xf32> to vector<256xf32>
    %broadcast_in_dim3A_419 = vector.shape_cast %squeeze3A_418 : vector<256xf32> to vector<256x1xf32>
    %eq3A_420 = arith.constant 19 : i32
    %eq3A_421 = vector.broadcast %eq3A_420 : i32 to vector<256x8xi32>
    %eq3A_422 = arith.cmpi eq, %get3A_17, %eq3A_421 : vector<256x8xi32>
    %jit3A_423 = arith.constant 0.000000e+00 : f32
    %broadcast_in_dim3A_424 = vector.shape_cast %broadcast_in_dim3A_419 : vector<256x1xf32> to vector<256x1xf32>
    %broadcast_in_dim3A_425 = vector.broadcast %broadcast_in_dim3A_424 : vector<256x1xf32> to vector<256x8xf32>
    %broadcast_in_dim3A_426 = vector.broadcast %jit3A_423 : f32 to vector<256x8xf32>
    %select_n3A_427 = arith.select %eq3A_422, %broadcast_in_dim3A_425, %broadcast_in_dim3A_426 : vector<256x8xi1>, vector<256x8xf32>
    %add3A_428 = arith.addf %add3A_407, %select_n3A_427 : vector<256x8xf32>
    %eq3A_429 = arith.constant 19 : i32
    %eq3A_430 = vector.broadcast %eq3A_429 : i32 to vector<256x64xi32>
    %eq3A_431 = arith.cmpi eq, %get3A_20, %eq3A_430 : vector<256x64xi32>
    %jit3A_432 = arith.constant 0.000000e+00 : f32
    %broadcast_in_dim3A_433 = vector.shape_cast %broadcast_in_dim3A_419 : vector<256x1xf32> to vector<256x1xf32>
    %broadcast_in_dim3A_434 = vector.broadcast %broadcast_in_dim3A_433 : vector<256x1xf32> to vector<256x64xf32>
    %broadcast_in_dim3A_435 = vector.broadcast %jit3A_432 : f32 to vector<256x64xf32>
    %select_n3A_436 = arith.select %eq3A_431, %broadcast_in_dim3A_434, %broadcast_in_dim3A_435 : vector<256x64xi1>, vector<256x64xf32>
    %add3A_437 = arith.addf %add3A_416, %select_n3A_436 : vector<256x64xf32>
    %slice3A_438 = vector.extract_strided_slice %dot_general3A_14 {offsets = [0, 20], sizes = [256, 1], strides = [1, 1]} : vector<256x33xf32> to vector<256x1xf32>
    %squeeze3A_439 = vector.shape_cast %slice3A_438 : vector<256x1xf32> to vector<256xf32>
    %broadcast_in_dim3A_440 = vector.shape_cast %squeeze3A_439 : vector<256xf32> to vector<256x1xf32>
    %eq3A_441 = arith.constant 20 : i32
    %eq3A_442 = vector.broadcast %eq3A_441 : i32 to vector<256x8xi32>
    %eq3A_443 = arith.cmpi eq, %get3A_17, %eq3A_442 : vector<256x8xi32>
    %jit3A_444 = arith.constant 0.000000e+00 : f32
    %broadcast_in_dim3A_445 = vector.shape_cast %broadcast_in_dim3A_440 : vector<256x1xf32> to vector<256x1xf32>
    %broadcast_in_dim3A_446 = vector.broadcast %broadcast_in_dim3A_445 : vector<256x1xf32> to vector<256x8xf32>
    %broadcast_in_dim3A_447 = vector.broadcast %jit3A_444 : f32 to vector<256x8xf32>
    %select_n3A_448 = arith.select %eq3A_443, %broadcast_in_dim3A_446, %broadcast_in_dim3A_447 : vector<256x8xi1>, vector<256x8xf32>
    %add3A_449 = arith.addf %add3A_428, %select_n3A_448 : vector<256x8xf32>
    %eq3A_450 = arith.constant 20 : i32
    %eq3A_451 = vector.broadcast %eq3A_450 : i32 to vector<256x64xi32>
    %eq3A_452 = arith.cmpi eq, %get3A_20, %eq3A_451 : vector<256x64xi32>
    %jit3A_453 = arith.constant 0.000000e+00 : f32
    %broadcast_in_dim3A_454 = vector.shape_cast %broadcast_in_dim3A_440 : vector<256x1xf32> to vector<256x1xf32>
    %broadcast_in_dim3A_455 = vector.broadcast %broadcast_in_dim3A_454 : vector<256x1xf32> to vector<256x64xf32>
    %broadcast_in_dim3A_456 = vector.broadcast %jit3A_453 : f32 to vector<256x64xf32>
    %select_n3A_457 = arith.select %eq3A_452, %broadcast_in_dim3A_455, %broadcast_in_dim3A_456 : vector<256x64xi1>, vector<256x64xf32>
    %add3A_458 = arith.addf %add3A_437, %select_n3A_457 : vector<256x64xf32>
    %slice3A_459 = vector.extract_strided_slice %dot_general3A_14 {offsets = [0, 21], sizes = [256, 1], strides = [1, 1]} : vector<256x33xf32> to vector<256x1xf32>
    %squeeze3A_460 = vector.shape_cast %slice3A_459 : vector<256x1xf32> to vector<256xf32>
    %broadcast_in_dim3A_461 = vector.shape_cast %squeeze3A_460 : vector<256xf32> to vector<256x1xf32>
    %eq3A_462 = arith.constant 21 : i32
    %eq3A_463 = vector.broadcast %eq3A_462 : i32 to vector<256x8xi32>
    %eq3A_464 = arith.cmpi eq, %get3A_17, %eq3A_463 : vector<256x8xi32>
    %jit3A_465 = arith.constant 0.000000e+00 : f32
    %broadcast_in_dim3A_466 = vector.shape_cast %broadcast_in_dim3A_461 : vector<256x1xf32> to vector<256x1xf32>
    %broadcast_in_dim3A_467 = vector.broadcast %broadcast_in_dim3A_466 : vector<256x1xf32> to vector<256x8xf32>
    %broadcast_in_dim3A_468 = vector.broadcast %jit3A_465 : f32 to vector<256x8xf32>
    %select_n3A_469 = arith.select %eq3A_464, %broadcast_in_dim3A_467, %broadcast_in_dim3A_468 : vector<256x8xi1>, vector<256x8xf32>
    %add3A_470 = arith.addf %add3A_449, %select_n3A_469 : vector<256x8xf32>
    %eq3A_471 = arith.constant 21 : i32
    %eq3A_472 = vector.broadcast %eq3A_471 : i32 to vector<256x64xi32>
    %eq3A_473 = arith.cmpi eq, %get3A_20, %eq3A_472 : vector<256x64xi32>
    %jit3A_474 = arith.constant 0.000000e+00 : f32
    %broadcast_in_dim3A_475 = vector.shape_cast %broadcast_in_dim3A_461 : vector<256x1xf32> to vector<256x1xf32>
    %broadcast_in_dim3A_476 = vector.broadcast %broadcast_in_dim3A_475 : vector<256x1xf32> to vector<256x64xf32>
    %broadcast_in_dim3A_477 = vector.broadcast %jit3A_474 : f32 to vector<256x64xf32>
    %select_n3A_478 = arith.select %eq3A_473, %broadcast_in_dim3A_476, %broadcast_in_dim3A_477 : vector<256x64xi1>, vector<256x64xf32>
    %add3A_479 = arith.addf %add3A_458, %select_n3A_478 : vector<256x64xf32>
    %slice3A_480 = vector.extract_strided_slice %dot_general3A_14 {offsets = [0, 22], sizes = [256, 1], strides = [1, 1]} : vector<256x33xf32> to vector<256x1xf32>
    %squeeze3A_481 = vector.shape_cast %slice3A_480 : vector<256x1xf32> to vector<256xf32>
    %broadcast_in_dim3A_482 = vector.shape_cast %squeeze3A_481 : vector<256xf32> to vector<256x1xf32>
    %eq3A_483 = arith.constant 22 : i32
    %eq3A_484 = vector.broadcast %eq3A_483 : i32 to vector<256x8xi32>
    %eq3A_485 = arith.cmpi eq, %get3A_17, %eq3A_484 : vector<256x8xi32>
    %jit3A_486 = arith.constant 0.000000e+00 : f32
    %broadcast_in_dim3A_487 = vector.shape_cast %broadcast_in_dim3A_482 : vector<256x1xf32> to vector<256x1xf32>
    %broadcast_in_dim3A_488 = vector.broadcast %broadcast_in_dim3A_487 : vector<256x1xf32> to vector<256x8xf32>
    %broadcast_in_dim3A_489 = vector.broadcast %jit3A_486 : f32 to vector<256x8xf32>
    %select_n3A_490 = arith.select %eq3A_485, %broadcast_in_dim3A_488, %broadcast_in_dim3A_489 : vector<256x8xi1>, vector<256x8xf32>
    %add3A_491 = arith.addf %add3A_470, %select_n3A_490 : vector<256x8xf32>
    %eq3A_492 = arith.constant 22 : i32
    %eq3A_493 = vector.broadcast %eq3A_492 : i32 to vector<256x64xi32>
    %eq3A_494 = arith.cmpi eq, %get3A_20, %eq3A_493 : vector<256x64xi32>
    %jit3A_495 = arith.constant 0.000000e+00 : f32
    %broadcast_in_dim3A_496 = vector.shape_cast %broadcast_in_dim3A_482 : vector<256x1xf32> to vector<256x1xf32>
    %broadcast_in_dim3A_497 = vector.broadcast %broadcast_in_dim3A_496 : vector<256x1xf32> to vector<256x64xf32>
    %broadcast_in_dim3A_498 = vector.broadcast %jit3A_495 : f32 to vector<256x64xf32>
    %select_n3A_499 = arith.select %eq3A_494, %broadcast_in_dim3A_497, %broadcast_in_dim3A_498 : vector<256x64xi1>, vector<256x64xf32>
    %add3A_500 = arith.addf %add3A_479, %select_n3A_499 : vector<256x64xf32>
    %slice3A_501 = vector.extract_strided_slice %dot_general3A_14 {offsets = [0, 23], sizes = [256, 1], strides = [1, 1]} : vector<256x33xf32> to vector<256x1xf32>
    %squeeze3A_502 = vector.shape_cast %slice3A_501 : vector<256x1xf32> to vector<256xf32>
    %broadcast_in_dim3A_503 = vector.shape_cast %squeeze3A_502 : vector<256xf32> to vector<256x1xf32>
    %eq3A_504 = arith.constant 23 : i32
    %eq3A_505 = vector.broadcast %eq3A_504 : i32 to vector<256x8xi32>
    %eq3A_506 = arith.cmpi eq, %get3A_17, %eq3A_505 : vector<256x8xi32>
    %jit3A_507 = arith.constant 0.000000e+00 : f32
    %broadcast_in_dim3A_508 = vector.shape_cast %broadcast_in_dim3A_503 : vector<256x1xf32> to vector<256x1xf32>
    %broadcast_in_dim3A_509 = vector.broadcast %broadcast_in_dim3A_508 : vector<256x1xf32> to vector<256x8xf32>
    %broadcast_in_dim3A_510 = vector.broadcast %jit3A_507 : f32 to vector<256x8xf32>
    %select_n3A_511 = arith.select %eq3A_506, %broadcast_in_dim3A_509, %broadcast_in_dim3A_510 : vector<256x8xi1>, vector<256x8xf32>
    %add3A_512 = arith.addf %add3A_491, %select_n3A_511 : vector<256x8xf32>
    %eq3A_513 = arith.constant 23 : i32
    %eq3A_514 = vector.broadcast %eq3A_513 : i32 to vector<256x64xi32>
    %eq3A_515 = arith.cmpi eq, %get3A_20, %eq3A_514 : vector<256x64xi32>
    %jit3A_516 = arith.constant 0.000000e+00 : f32
    %broadcast_in_dim3A_517 = vector.shape_cast %broadcast_in_dim3A_503 : vector<256x1xf32> to vector<256x1xf32>
    %broadcast_in_dim3A_518 = vector.broadcast %broadcast_in_dim3A_517 : vector<256x1xf32> to vector<256x64xf32>
    %broadcast_in_dim3A_519 = vector.broadcast %jit3A_516 : f32 to vector<256x64xf32>
    %select_n3A_520 = arith.select %eq3A_515, %broadcast_in_dim3A_518, %broadcast_in_dim3A_519 : vector<256x64xi1>, vector<256x64xf32>
    %add3A_521 = arith.addf %add3A_500, %select_n3A_520 : vector<256x64xf32>
    %slice3A_522 = vector.extract_strided_slice %dot_general3A_14 {offsets = [0, 24], sizes = [256, 1], strides = [1, 1]} : vector<256x33xf32> to vector<256x1xf32>
    %squeeze3A_523 = vector.shape_cast %slice3A_522 : vector<256x1xf32> to vector<256xf32>
    %broadcast_in_dim3A_524 = vector.shape_cast %squeeze3A_523 : vector<256xf32> to vector<256x1xf32>
    %eq3A_525 = arith.constant 24 : i32
    %eq3A_526 = vector.broadcast %eq3A_525 : i32 to vector<256x8xi32>
    %eq3A_527 = arith.cmpi eq, %get3A_17, %eq3A_526 : vector<256x8xi32>
    %jit3A_528 = arith.constant 0.000000e+00 : f32
    %broadcast_in_dim3A_529 = vector.shape_cast %broadcast_in_dim3A_524 : vector<256x1xf32> to vector<256x1xf32>
    %broadcast_in_dim3A_530 = vector.broadcast %broadcast_in_dim3A_529 : vector<256x1xf32> to vector<256x8xf32>
    %broadcast_in_dim3A_531 = vector.broadcast %jit3A_528 : f32 to vector<256x8xf32>
    %select_n3A_532 = arith.select %eq3A_527, %broadcast_in_dim3A_530, %broadcast_in_dim3A_531 : vector<256x8xi1>, vector<256x8xf32>
    %add3A_533 = arith.addf %add3A_512, %select_n3A_532 : vector<256x8xf32>
    %eq3A_534 = arith.constant 24 : i32
    %eq3A_535 = vector.broadcast %eq3A_534 : i32 to vector<256x64xi32>
    %eq3A_536 = arith.cmpi eq, %get3A_20, %eq3A_535 : vector<256x64xi32>
    %jit3A_537 = arith.constant 0.000000e+00 : f32
    %broadcast_in_dim3A_538 = vector.shape_cast %broadcast_in_dim3A_524 : vector<256x1xf32> to vector<256x1xf32>
    %broadcast_in_dim3A_539 = vector.broadcast %broadcast_in_dim3A_538 : vector<256x1xf32> to vector<256x64xf32>
    %broadcast_in_dim3A_540 = vector.broadcast %jit3A_537 : f32 to vector<256x64xf32>
    %select_n3A_541 = arith.select %eq3A_536, %broadcast_in_dim3A_539, %broadcast_in_dim3A_540 : vector<256x64xi1>, vector<256x64xf32>
    %add3A_542 = arith.addf %add3A_521, %select_n3A_541 : vector<256x64xf32>
    %slice3A_543 = vector.extract_strided_slice %dot_general3A_14 {offsets = [0, 25], sizes = [256, 1], strides = [1, 1]} : vector<256x33xf32> to vector<256x1xf32>
    %squeeze3A_544 = vector.shape_cast %slice3A_543 : vector<256x1xf32> to vector<256xf32>
    %broadcast_in_dim3A_545 = vector.shape_cast %squeeze3A_544 : vector<256xf32> to vector<256x1xf32>
    %eq3A_546 = arith.constant 25 : i32
    %eq3A_547 = vector.broadcast %eq3A_546 : i32 to vector<256x8xi32>
    %eq3A_548 = arith.cmpi eq, %get3A_17, %eq3A_547 : vector<256x8xi32>
    %jit3A_549 = arith.constant 0.000000e+00 : f32
    %broadcast_in_dim3A_550 = vector.shape_cast %broadcast_in_dim3A_545 : vector<256x1xf32> to vector<256x1xf32>
    %broadcast_in_dim3A_551 = vector.broadcast %broadcast_in_dim3A_550 : vector<256x1xf32> to vector<256x8xf32>
    %broadcast_in_dim3A_552 = vector.broadcast %jit3A_549 : f32 to vector<256x8xf32>
    %select_n3A_553 = arith.select %eq3A_548, %broadcast_in_dim3A_551, %broadcast_in_dim3A_552 : vector<256x8xi1>, vector<256x8xf32>
    %add3A_554 = arith.addf %add3A_533, %select_n3A_553 : vector<256x8xf32>
    %eq3A_555 = arith.constant 25 : i32
    %eq3A_556 = vector.broadcast %eq3A_555 : i32 to vector<256x64xi32>
    %eq3A_557 = arith.cmpi eq, %get3A_20, %eq3A_556 : vector<256x64xi32>
    %jit3A_558 = arith.constant 0.000000e+00 : f32
    %broadcast_in_dim3A_559 = vector.shape_cast %broadcast_in_dim3A_545 : vector<256x1xf32> to vector<256x1xf32>
    %broadcast_in_dim3A_560 = vector.broadcast %broadcast_in_dim3A_559 : vector<256x1xf32> to vector<256x64xf32>
    %broadcast_in_dim3A_561 = vector.broadcast %jit3A_558 : f32 to vector<256x64xf32>
    %select_n3A_562 = arith.select %eq3A_557, %broadcast_in_dim3A_560, %broadcast_in_dim3A_561 : vector<256x64xi1>, vector<256x64xf32>
    %add3A_563 = arith.addf %add3A_542, %select_n3A_562 : vector<256x64xf32>
    %slice3A_564 = vector.extract_strided_slice %dot_general3A_14 {offsets = [0, 26], sizes = [256, 1], strides = [1, 1]} : vector<256x33xf32> to vector<256x1xf32>
    %squeeze3A_565 = vector.shape_cast %slice3A_564 : vector<256x1xf32> to vector<256xf32>
    %broadcast_in_dim3A_566 = vector.shape_cast %squeeze3A_565 : vector<256xf32> to vector<256x1xf32>
    %eq3A_567 = arith.constant 26 : i32
    %eq3A_568 = vector.broadcast %eq3A_567 : i32 to vector<256x8xi32>
    %eq3A_569 = arith.cmpi eq, %get3A_17, %eq3A_568 : vector<256x8xi32>
    %jit3A_570 = arith.constant 0.000000e+00 : f32
    %broadcast_in_dim3A_571 = vector.shape_cast %broadcast_in_dim3A_566 : vector<256x1xf32> to vector<256x1xf32>
    %broadcast_in_dim3A_572 = vector.broadcast %broadcast_in_dim3A_571 : vector<256x1xf32> to vector<256x8xf32>
    %broadcast_in_dim3A_573 = vector.broadcast %jit3A_570 : f32 to vector<256x8xf32>
    %select_n3A_574 = arith.select %eq3A_569, %broadcast_in_dim3A_572, %broadcast_in_dim3A_573 : vector<256x8xi1>, vector<256x8xf32>
    %add3A_575 = arith.addf %add3A_554, %select_n3A_574 : vector<256x8xf32>
    %eq3A_576 = arith.constant 26 : i32
    %eq3A_577 = vector.broadcast %eq3A_576 : i32 to vector<256x64xi32>
    %eq3A_578 = arith.cmpi eq, %get3A_20, %eq3A_577 : vector<256x64xi32>
    %jit3A_579 = arith.constant 0.000000e+00 : f32
    %broadcast_in_dim3A_580 = vector.shape_cast %broadcast_in_dim3A_566 : vector<256x1xf32> to vector<256x1xf32>
    %broadcast_in_dim3A_581 = vector.broadcast %broadcast_in_dim3A_580 : vector<256x1xf32> to vector<256x64xf32>
    %broadcast_in_dim3A_582 = vector.broadcast %jit3A_579 : f32 to vector<256x64xf32>
    %select_n3A_583 = arith.select %eq3A_578, %broadcast_in_dim3A_581, %broadcast_in_dim3A_582 : vector<256x64xi1>, vector<256x64xf32>
    %add3A_584 = arith.addf %add3A_563, %select_n3A_583 : vector<256x64xf32>
    %slice3A_585 = vector.extract_strided_slice %dot_general3A_14 {offsets = [0, 27], sizes = [256, 1], strides = [1, 1]} : vector<256x33xf32> to vector<256x1xf32>
    %squeeze3A_586 = vector.shape_cast %slice3A_585 : vector<256x1xf32> to vector<256xf32>
    %broadcast_in_dim3A_587 = vector.shape_cast %squeeze3A_586 : vector<256xf32> to vector<256x1xf32>
    %eq3A_588 = arith.constant 27 : i32
    %eq3A_589 = vector.broadcast %eq3A_588 : i32 to vector<256x8xi32>
    %eq3A_590 = arith.cmpi eq, %get3A_17, %eq3A_589 : vector<256x8xi32>
    %jit3A_591 = arith.constant 0.000000e+00 : f32
    %broadcast_in_dim3A_592 = vector.shape_cast %broadcast_in_dim3A_587 : vector<256x1xf32> to vector<256x1xf32>
    %broadcast_in_dim3A_593 = vector.broadcast %broadcast_in_dim3A_592 : vector<256x1xf32> to vector<256x8xf32>
    %broadcast_in_dim3A_594 = vector.broadcast %jit3A_591 : f32 to vector<256x8xf32>
    %select_n3A_595 = arith.select %eq3A_590, %broadcast_in_dim3A_593, %broadcast_in_dim3A_594 : vector<256x8xi1>, vector<256x8xf32>
    %add3A_596 = arith.addf %add3A_575, %select_n3A_595 : vector<256x8xf32>
    %eq3A_597 = arith.constant 27 : i32
    %eq3A_598 = vector.broadcast %eq3A_597 : i32 to vector<256x64xi32>
    %eq3A_599 = arith.cmpi eq, %get3A_20, %eq3A_598 : vector<256x64xi32>
    %jit3A_600 = arith.constant 0.000000e+00 : f32
    %broadcast_in_dim3A_601 = vector.shape_cast %broadcast_in_dim3A_587 : vector<256x1xf32> to vector<256x1xf32>
    %broadcast_in_dim3A_602 = vector.broadcast %broadcast_in_dim3A_601 : vector<256x1xf32> to vector<256x64xf32>
    %broadcast_in_dim3A_603 = vector.broadcast %jit3A_600 : f32 to vector<256x64xf32>
    %select_n3A_604 = arith.select %eq3A_599, %broadcast_in_dim3A_602, %broadcast_in_dim3A_603 : vector<256x64xi1>, vector<256x64xf32>
    %add3A_605 = arith.addf %add3A_584, %select_n3A_604 : vector<256x64xf32>
    %slice3A_606 = vector.extract_strided_slice %dot_general3A_14 {offsets = [0, 28], sizes = [256, 1], strides = [1, 1]} : vector<256x33xf32> to vector<256x1xf32>
    %squeeze3A_607 = vector.shape_cast %slice3A_606 : vector<256x1xf32> to vector<256xf32>
    %broadcast_in_dim3A_608 = vector.shape_cast %squeeze3A_607 : vector<256xf32> to vector<256x1xf32>
    %eq3A_609 = arith.constant 28 : i32
    %eq3A_610 = vector.broadcast %eq3A_609 : i32 to vector<256x8xi32>
    %eq3A_611 = arith.cmpi eq, %get3A_17, %eq3A_610 : vector<256x8xi32>
    %jit3A_612 = arith.constant 0.000000e+00 : f32
    %broadcast_in_dim3A_613 = vector.shape_cast %broadcast_in_dim3A_608 : vector<256x1xf32> to vector<256x1xf32>
    %broadcast_in_dim3A_614 = vector.broadcast %broadcast_in_dim3A_613 : vector<256x1xf32> to vector<256x8xf32>
    %broadcast_in_dim3A_615 = vector.broadcast %jit3A_612 : f32 to vector<256x8xf32>
    %select_n3A_616 = arith.select %eq3A_611, %broadcast_in_dim3A_614, %broadcast_in_dim3A_615 : vector<256x8xi1>, vector<256x8xf32>
    %add3A_617 = arith.addf %add3A_596, %select_n3A_616 : vector<256x8xf32>
    %eq3A_618 = arith.constant 28 : i32
    %eq3A_619 = vector.broadcast %eq3A_618 : i32 to vector<256x64xi32>
    %eq3A_620 = arith.cmpi eq, %get3A_20, %eq3A_619 : vector<256x64xi32>
    %jit3A_621 = arith.constant 0.000000e+00 : f32
    %broadcast_in_dim3A_622 = vector.shape_cast %broadcast_in_dim3A_608 : vector<256x1xf32> to vector<256x1xf32>
    %broadcast_in_dim3A_623 = vector.broadcast %broadcast_in_dim3A_622 : vector<256x1xf32> to vector<256x64xf32>
    %broadcast_in_dim3A_624 = vector.broadcast %jit3A_621 : f32 to vector<256x64xf32>
    %select_n3A_625 = arith.select %eq3A_620, %broadcast_in_dim3A_623, %broadcast_in_dim3A_624 : vector<256x64xi1>, vector<256x64xf32>
    %add3A_626 = arith.addf %add3A_605, %select_n3A_625 : vector<256x64xf32>
    %slice3A_627 = vector.extract_strided_slice %dot_general3A_14 {offsets = [0, 29], sizes = [256, 1], strides = [1, 1]} : vector<256x33xf32> to vector<256x1xf32>
    %squeeze3A_628 = vector.shape_cast %slice3A_627 : vector<256x1xf32> to vector<256xf32>
    %broadcast_in_dim3A_629 = vector.shape_cast %squeeze3A_628 : vector<256xf32> to vector<256x1xf32>
    %eq3A_630 = arith.constant 29 : i32
    %eq3A_631 = vector.broadcast %eq3A_630 : i32 to vector<256x8xi32>
    %eq3A_632 = arith.cmpi eq, %get3A_17, %eq3A_631 : vector<256x8xi32>
    %jit3A_633 = arith.constant 0.000000e+00 : f32
    %broadcast_in_dim3A_634 = vector.shape_cast %broadcast_in_dim3A_629 : vector<256x1xf32> to vector<256x1xf32>
    %broadcast_in_dim3A_635 = vector.broadcast %broadcast_in_dim3A_634 : vector<256x1xf32> to vector<256x8xf32>
    %broadcast_in_dim3A_636 = vector.broadcast %jit3A_633 : f32 to vector<256x8xf32>
    %select_n3A_637 = arith.select %eq3A_632, %broadcast_in_dim3A_635, %broadcast_in_dim3A_636 : vector<256x8xi1>, vector<256x8xf32>
    %add3A_638 = arith.addf %add3A_617, %select_n3A_637 : vector<256x8xf32>
    %eq3A_639 = arith.constant 29 : i32
    %eq3A_640 = vector.broadcast %eq3A_639 : i32 to vector<256x64xi32>
    %eq3A_641 = arith.cmpi eq, %get3A_20, %eq3A_640 : vector<256x64xi32>
    %jit3A_642 = arith.constant 0.000000e+00 : f32
    %broadcast_in_dim3A_643 = vector.shape_cast %broadcast_in_dim3A_629 : vector<256x1xf32> to vector<256x1xf32>
    %broadcast_in_dim3A_644 = vector.broadcast %broadcast_in_dim3A_643 : vector<256x1xf32> to vector<256x64xf32>
    %broadcast_in_dim3A_645 = vector.broadcast %jit3A_642 : f32 to vector<256x64xf32>
    %select_n3A_646 = arith.select %eq3A_641, %broadcast_in_dim3A_644, %broadcast_in_dim3A_645 : vector<256x64xi1>, vector<256x64xf32>
    %add3A_647 = arith.addf %add3A_626, %select_n3A_646 : vector<256x64xf32>
    %slice3A_648 = vector.extract_strided_slice %dot_general3A_14 {offsets = [0, 30], sizes = [256, 1], strides = [1, 1]} : vector<256x33xf32> to vector<256x1xf32>
    %squeeze3A_649 = vector.shape_cast %slice3A_648 : vector<256x1xf32> to vector<256xf32>
    %broadcast_in_dim3A_650 = vector.shape_cast %squeeze3A_649 : vector<256xf32> to vector<256x1xf32>
    %eq3A_651 = arith.constant 30 : i32
    %eq3A_652 = vector.broadcast %eq3A_651 : i32 to vector<256x8xi32>
    %eq3A_653 = arith.cmpi eq, %get3A_17, %eq3A_652 : vector<256x8xi32>
    %jit3A_654 = arith.constant 0.000000e+00 : f32
    %broadcast_in_dim3A_655 = vector.shape_cast %broadcast_in_dim3A_650 : vector<256x1xf32> to vector<256x1xf32>
    %broadcast_in_dim3A_656 = vector.broadcast %broadcast_in_dim3A_655 : vector<256x1xf32> to vector<256x8xf32>
    %broadcast_in_dim3A_657 = vector.broadcast %jit3A_654 : f32 to vector<256x8xf32>
    %select_n3A_658 = arith.select %eq3A_653, %broadcast_in_dim3A_656, %broadcast_in_dim3A_657 : vector<256x8xi1>, vector<256x8xf32>
    %add3A_659 = arith.addf %add3A_638, %select_n3A_658 : vector<256x8xf32>
    %eq3A_660 = arith.constant 30 : i32
    %eq3A_661 = vector.broadcast %eq3A_660 : i32 to vector<256x64xi32>
    %eq3A_662 = arith.cmpi eq, %get3A_20, %eq3A_661 : vector<256x64xi32>
    %jit3A_663 = arith.constant 0.000000e+00 : f32
    %broadcast_in_dim3A_664 = vector.shape_cast %broadcast_in_dim3A_650 : vector<256x1xf32> to vector<256x1xf32>
    %broadcast_in_dim3A_665 = vector.broadcast %broadcast_in_dim3A_664 : vector<256x1xf32> to vector<256x64xf32>
    %broadcast_in_dim3A_666 = vector.broadcast %jit3A_663 : f32 to vector<256x64xf32>
    %select_n3A_667 = arith.select %eq3A_662, %broadcast_in_dim3A_665, %broadcast_in_dim3A_666 : vector<256x64xi1>, vector<256x64xf32>
    %add3A_668 = arith.addf %add3A_647, %select_n3A_667 : vector<256x64xf32>
    %slice3A_669 = vector.extract_strided_slice %dot_general3A_14 {offsets = [0, 31], sizes = [256, 1], strides = [1, 1]} : vector<256x33xf32> to vector<256x1xf32>
    %squeeze3A_670 = vector.shape_cast %slice3A_669 : vector<256x1xf32> to vector<256xf32>
    %broadcast_in_dim3A_671 = vector.shape_cast %squeeze3A_670 : vector<256xf32> to vector<256x1xf32>
    %eq3A_672 = arith.constant 31 : i32
    %eq3A_673 = vector.broadcast %eq3A_672 : i32 to vector<256x8xi32>
    %eq3A_674 = arith.cmpi eq, %get3A_17, %eq3A_673 : vector<256x8xi32>
    %jit3A_675 = arith.constant 0.000000e+00 : f32
    %broadcast_in_dim3A_676 = vector.shape_cast %broadcast_in_dim3A_671 : vector<256x1xf32> to vector<256x1xf32>
    %broadcast_in_dim3A_677 = vector.broadcast %broadcast_in_dim3A_676 : vector<256x1xf32> to vector<256x8xf32>
    %broadcast_in_dim3A_678 = vector.broadcast %jit3A_675 : f32 to vector<256x8xf32>
    %select_n3A_679 = arith.select %eq3A_674, %broadcast_in_dim3A_677, %broadcast_in_dim3A_678 : vector<256x8xi1>, vector<256x8xf32>
    %add3A_680 = arith.addf %add3A_659, %select_n3A_679 : vector<256x8xf32>
    %eq3A_681 = arith.constant 31 : i32
    %eq3A_682 = vector.broadcast %eq3A_681 : i32 to vector<256x64xi32>
    %eq3A_683 = arith.cmpi eq, %get3A_20, %eq3A_682 : vector<256x64xi32>
    %jit3A_684 = arith.constant 0.000000e+00 : f32
    %broadcast_in_dim3A_685 = vector.shape_cast %broadcast_in_dim3A_671 : vector<256x1xf32> to vector<256x1xf32>
    %broadcast_in_dim3A_686 = vector.broadcast %broadcast_in_dim3A_685 : vector<256x1xf32> to vector<256x64xf32>
    %broadcast_in_dim3A_687 = vector.broadcast %jit3A_684 : f32 to vector<256x64xf32>
    %select_n3A_688 = arith.select %eq3A_683, %broadcast_in_dim3A_686, %broadcast_in_dim3A_687 : vector<256x64xi1>, vector<256x64xf32>
    %add3A_689 = arith.addf %add3A_668, %select_n3A_688 : vector<256x64xf32>
    %slice3A_690 = vector.extract_strided_slice %dot_general3A_14 {offsets = [0, 32], sizes = [256, 1], strides = [1, 1]} : vector<256x33xf32> to vector<256x1xf32>
    %squeeze3A_691 = vector.shape_cast %slice3A_690 : vector<256x1xf32> to vector<256xf32>
    %broadcast_in_dim3A_692 = vector.shape_cast %squeeze3A_691 : vector<256xf32> to vector<256x1xf32>
    %eq3A_693 = arith.constant 32 : i32
    %eq3A_694 = vector.broadcast %eq3A_693 : i32 to vector<256x8xi32>
    %eq3A_695 = arith.cmpi eq, %get3A_17, %eq3A_694 : vector<256x8xi32>
    %jit3A_696 = arith.constant 0.000000e+00 : f32
    %broadcast_in_dim3A_697 = vector.shape_cast %broadcast_in_dim3A_692 : vector<256x1xf32> to vector<256x1xf32>
    %broadcast_in_dim3A_698 = vector.broadcast %broadcast_in_dim3A_697 : vector<256x1xf32> to vector<256x8xf32>
    %broadcast_in_dim3A_699 = vector.broadcast %jit3A_696 : f32 to vector<256x8xf32>
    %select_n3A_700 = arith.select %eq3A_695, %broadcast_in_dim3A_698, %broadcast_in_dim3A_699 : vector<256x8xi1>, vector<256x8xf32>
    %add3A_701 = arith.addf %add3A_680, %select_n3A_700 : vector<256x8xf32>
    %eq3A_702 = arith.constant 32 : i32
    %eq3A_703 = vector.broadcast %eq3A_702 : i32 to vector<256x64xi32>
    %eq3A_704 = arith.cmpi eq, %get3A_20, %eq3A_703 : vector<256x64xi32>
    %jit3A_705 = arith.constant 0.000000e+00 : f32
    %broadcast_in_dim3A_706 = vector.shape_cast %broadcast_in_dim3A_692 : vector<256x1xf32> to vector<256x1xf32>
    %broadcast_in_dim3A_707 = vector.broadcast %broadcast_in_dim3A_706 : vector<256x1xf32> to vector<256x64xf32>
    %broadcast_in_dim3A_708 = vector.broadcast %jit3A_705 : f32 to vector<256x64xf32>
    %select_n3A_709 = arith.select %eq3A_704, %broadcast_in_dim3A_707, %broadcast_in_dim3A_708 : vector<256x64xi1>, vector<256x64xf32>
    %add3A_710 = arith.addf %add3A_689, %select_n3A_709 : vector<256x64xf32>
    %reduce_max3A = arith.constant dense<0xFF800000> : vector<256xf32>
    %reduce_max3A_711 = vector.multi_reduction <maximumf>, %add3A_701, %reduce_max3A [1] : vector<256x8xf32> to vector<256xf32>
    %max3A = arith.constant 0xFF800000 : f32
    %max3A_712 = vector.broadcast %max3A : f32 to vector<256xf32>
    %max3A_713 = arith.maximumf %max3A_712, %reduce_max3A_711 : vector<256xf32>
    %broadcast_in_dim3A_714 = vector.shape_cast %max3A_713 : vector<256xf32> to vector<256x1xf32>
    %sub3A = vector.broadcast %broadcast_in_dim3A_714 : vector<256x1xf32> to vector<256x8xf32>
    %sub3A_715 = arith.subf %add3A_701, %sub3A : vector<256x8xf32>
    %exp3A = math.exp %sub3A_715 : vector<256x8xf32>
    %reduce_sum3A = arith.constant dense<0.000000e+00> : vector<256xf32>
    %reduce_sum3A_716 = vector.multi_reduction <add>, %exp3A, %reduce_sum3A [1] : vector<256x8xf32> to vector<256xf32>
    %broadcast_in_dim3A_717 = vector.shape_cast %reduce_sum3A_716 : vector<256xf32> to vector<256x1xf32>
    %div3A = vector.broadcast %broadcast_in_dim3A_717 : vector<256x1xf32> to vector<256x8xf32>
    %div3A_718 = arith.divf %exp3A, %div3A : vector<256x8xf32>
    %reshape3A = vector.shape_cast %add3A_710 : vector<256x64xf32> to vector<256x8x8xf32>
    %reduce_max3A_719 = arith.constant dense<0xFF800000> : vector<256x8xf32>
    %reduce_max3A_720 = vector.multi_reduction <maximumf>, %reshape3A, %reduce_max3A_719 [2] : vector<256x8x8xf32> to vector<256x8xf32>
    %max3A_721 = arith.constant 0xFF800000 : f32
    %max3A_722 = vector.broadcast %max3A_721 : f32 to vector<256x8xf32>
    %max3A_723 = arith.maximumf %max3A_722, %reduce_max3A_720 : vector<256x8xf32>
    %broadcast_in_dim3A_724 = vector.shape_cast %max3A_723 : vector<256x8xf32> to vector<256x8x1xf32>
    %sub3A_725 = vector.broadcast %broadcast_in_dim3A_724 : vector<256x8x1xf32> to vector<256x8x8xf32>
    %sub3A_726 = arith.subf %reshape3A, %sub3A_725 : vector<256x8x8xf32>
    %exp3A_727 = math.exp %sub3A_726 : vector<256x8x8xf32>
    %reduce_sum3A_728 = arith.constant dense<0.000000e+00> : vector<256x8xf32>
    %reduce_sum3A_729 = vector.multi_reduction <add>, %exp3A_727, %reduce_sum3A_728 [2] : vector<256x8x8xf32> to vector<256x8xf32>
    %broadcast_in_dim3A_730 = vector.shape_cast %reduce_sum3A_729 : vector<256x8xf32> to vector<256x8x1xf32>
    %div3A_731 = vector.broadcast %broadcast_in_dim3A_730 : vector<256x8x1xf32> to vector<256x8x8xf32>
    %div3A_732 = arith.divf %exp3A_727, %div3A_731 : vector<256x8x8xf32>
    %get3A_733 = arith.constant 0 : index
    %get3A_734 = arith.constant 0 : index
    %get3A_735 = vector.load %arg3[%get3A_733, %get3A_734] : memref<2048x32xf32, #tpu.memory_space<vmem>>, vector<2048x32xf32>
    %iota3A = tpu.iota {dimensions = array<i32: 0>} : vector<32x32xi32>
    %iota3A_736 = tpu.iota {dimensions = array<i32: 1>} : vector<32x32xi32>
    %lt3A = arith.constant 16 : i32
    %lt3A_737 = vector.broadcast %lt3A : i32 to vector<32x32xi32>
    %lt3A_738 = arith.cmpi slt, %iota3A_736, %lt3A_737 : vector<32x32xi32>
    %mul3A = arith.constant 2 : i32
    %mul3A_739 = vector.broadcast %mul3A : i32 to vector<32x32xi32>
    %mul3A_740 = arith.muli %mul3A_739, %iota3A_736 : vector<32x32xi32>
    %sub3A_741 = arith.constant 16 : i32
    %sub3A_742 = vector.broadcast %sub3A_741 : i32 to vector<32x32xi32>
    %sub3A_743 = arith.subi %iota3A_736, %sub3A_742 : vector<32x32xi32>
    %mul3A_744 = arith.constant 2 : i32
    %mul3A_745 = vector.broadcast %mul3A_744 : i32 to vector<32x32xi32>
    %mul3A_746 = arith.muli %mul3A_745, %sub3A_743 : vector<32x32xi32>
    %add3A_747 = arith.constant 1 : i32
    %add3A_748 = vector.broadcast %add3A_747 : i32 to vector<32x32xi32>
    %add3A_749 = arith.addi %mul3A_746, %add3A_748 : vector<32x32xi32>
    %select_n3A_750 = arith.select %lt3A_738, %mul3A_740, %add3A_749 : vector<32x32xi1>, vector<32x32xi32>
    %eq3A_751 = arith.cmpi eq, %iota3A, %select_n3A_750 : vector<32x32xi32>
    %jit3A_752 = arith.constant 1.000000e+00 : f32
    %jit3A_753 = arith.constant 0.000000e+00 : f32
    %broadcast_in_dim3A_754 = vector.broadcast %jit3A_752 : f32 to vector<32x32xf32>
    %broadcast_in_dim3A_755 = vector.broadcast %jit3A_753 : f32 to vector<32x32xf32>
    %select_n3A_756 = arith.select %eq3A_751, %broadcast_in_dim3A_754, %broadcast_in_dim3A_755 : vector<32x32xi1>, vector<32x32xf32>
    %dot_general3A_757 = arith.constant dense<0.000000e+00> : vector<2048x32xf32>
    %dot_general3A_758 = tpu.matmul %get3A_735, %select_n3A_756, %dot_general3A_757 {dimension_numbers = #tpu.dot_dimension_numbers<[1], [0], [0], [1], [0, 0, 1, 1], [], []>, transpose_lhs_hint = false} : vector<2048x32xf32>, vector<32x32xf32>, vector<2048x32xf32> -> vector<2048x32xf32>
    %get3A_759 = arith.constant 0 : index
    %get3A_760 = arith.constant 0 : index
    %get3A_761 = vector.load %arg2[%get3A_759, %get3A_760] : memref<256x32xf32, #tpu.memory_space<vmem>>, vector<256x32xf32>
    %iota3A_762 = tpu.iota {dimensions = array<i32: 0>} : vector<32x32xi32>
    %iota3A_763 = tpu.iota {dimensions = array<i32: 1>} : vector<32x32xi32>
    %lt3A_764 = arith.constant 16 : i32
    %lt3A_765 = vector.broadcast %lt3A_764 : i32 to vector<32x32xi32>
    %lt3A_766 = arith.cmpi slt, %iota3A_763, %lt3A_765 : vector<32x32xi32>
    %mul3A_767 = arith.constant 2 : i32
    %mul3A_768 = vector.broadcast %mul3A_767 : i32 to vector<32x32xi32>
    %mul3A_769 = arith.muli %mul3A_768, %iota3A_763 : vector<32x32xi32>
    %sub3A_770 = arith.constant 16 : i32
    %sub3A_771 = vector.broadcast %sub3A_770 : i32 to vector<32x32xi32>
    %sub3A_772 = arith.subi %iota3A_763, %sub3A_771 : vector<32x32xi32>
    %mul3A_773 = arith.constant 2 : i32
    %mul3A_774 = vector.broadcast %mul3A_773 : i32 to vector<32x32xi32>
    %mul3A_775 = arith.muli %mul3A_774, %sub3A_772 : vector<32x32xi32>
    %add3A_776 = arith.constant 1 : i32
    %add3A_777 = vector.broadcast %add3A_776 : i32 to vector<32x32xi32>
    %add3A_778 = arith.addi %mul3A_775, %add3A_777 : vector<32x32xi32>
    %select_n3A_779 = arith.select %lt3A_766, %mul3A_769, %add3A_778 : vector<32x32xi1>, vector<32x32xi32>
    %eq3A_780 = arith.cmpi eq, %iota3A_762, %select_n3A_779 : vector<32x32xi32>
    %jit3A_781 = arith.constant 1.000000e+00 : f32
    %jit3A_782 = arith.constant 0.000000e+00 : f32
    %broadcast_in_dim3A_783 = vector.broadcast %jit3A_781 : f32 to vector<32x32xf32>
    %broadcast_in_dim3A_784 = vector.broadcast %jit3A_782 : f32 to vector<32x32xf32>
    %select_n3A_785 = arith.select %eq3A_780, %broadcast_in_dim3A_783, %broadcast_in_dim3A_784 : vector<32x32xi1>, vector<32x32xf32>
    %dot_general3A_786 = arith.constant dense<0.000000e+00> : vector<256x32xf32>
    %dot_general3A_787 = tpu.matmul %get3A_761, %select_n3A_785, %dot_general3A_786 {dimension_numbers = #tpu.dot_dimension_numbers<[1], [0], [0], [1], [0, 0, 1, 1], [], []>, transpose_lhs_hint = false} : vector<256x32xf32>, vector<32x32xf32>, vector<256x32xf32> -> vector<256x32xf32>
    %get3A_788 = arith.constant 0 : index
    %get3A_789 = arith.constant 0 : index
    %get3A_790 = vector.load %arg4[%get3A_788, %get3A_789] : memref<2048x128xi32, #tpu.memory_space<vmem>>, vector<2048x128xi32>
    %shift_left3A = arith.constant 16 : i32
    %shift_left3A_791 = vector.broadcast %shift_left3A : i32 to vector<2048x128xi32>
    %shift_left3A_792 = arith.shli %get3A_790, %shift_left3A_791 : vector<2048x128xi32>
    %bitcast_convert_type3A = tpu.bitcast %shift_left3A_792 : vector<2048x128xi32> -> vector<2048x128xf32>
    %and3A = arith.constant -65536 : i32
    %and3A_793 = vector.broadcast %and3A : i32 to vector<2048x128xi32>
    %and3A_794 = arith.andi %get3A_790, %and3A_793 : vector<2048x128xi32>
    %bitcast_convert_type3A_795 = tpu.bitcast %and3A_794 : vector<2048x128xi32> -> vector<2048x128xf32>
    %iota3A_796 = tpu.iota {dimensions = array<i32: 1>} : vector<8x128xi32>
    %jit3A_797 = arith.constant 16 : i32
    %div3A_798 = vector.broadcast %jit3A_797 : i32 to vector<8x128xi32>
    %div3A_799 = arith.divsi %iota3A_796, %div3A_798 : vector<8x128xi32>
    %sign3A = arith.constant 0 : i32
    %sign3A_800 = vector.broadcast %sign3A : i32 to vector<8x128xi32>
    %sign3A_801 = arith.cmpi sgt, %iota3A_796, %sign3A_800 : vector<8x128xi32>
    %sign3A_802 = arith.extui %sign3A_801 : vector<8x128xi1> to vector<8x128xi32>
    %sign3A_803 = arith.constant 0 : i32
    %sign3A_804 = vector.broadcast %sign3A_803 : i32 to vector<8x128xi32>
    %sign3A_805 = arith.cmpi slt, %iota3A_796, %sign3A_804 : vector<8x128xi32>
    %sign3A_806 = arith.extui %sign3A_805 : vector<8x128xi1> to vector<8x128xi32>
    %sign3A_807 = arith.subi %sign3A_802, %sign3A_806 : vector<8x128xi32>
    %sign3A_808 = arith.constant 0 : i32
    %sign3A_809 = arith.cmpi sgt, %jit3A_797, %sign3A_808 : i32
    %sign3A_810 = arith.extui %sign3A_809 : i1 to i32
    %sign3A_811 = arith.constant 0 : i32
    %sign3A_812 = arith.cmpi slt, %jit3A_797, %sign3A_811 : i32
    %sign3A_813 = arith.extui %sign3A_812 : i1 to i32
    %sign3A_814 = arith.subi %sign3A_810, %sign3A_813 : i32
    %ne3A = vector.broadcast %sign3A_814 : i32 to vector<8x128xi32>
    %ne3A_815 = arith.cmpi ne, %sign3A_807, %ne3A : vector<8x128xi32>
    %rem3A = vector.broadcast %jit3A_797 : i32 to vector<8x128xi32>
    %rem3A_816 = arith.remsi %iota3A_796, %rem3A : vector<8x128xi32>
    %ne3A_817 = arith.constant 0 : i32
    %ne3A_818 = vector.broadcast %ne3A_817 : i32 to vector<8x128xi32>
    %ne3A_819 = arith.cmpi ne, %rem3A_816, %ne3A_818 : vector<8x128xi32>
    %and3A_820 = arith.andi %ne3A_815, %ne3A_819 : vector<8x128xi1>
    %sub3A_821 = arith.constant 1 : i32
    %sub3A_822 = vector.broadcast %sub3A_821 : i32 to vector<8x128xi32>
    %sub3A_823 = arith.subi %div3A_799, %sub3A_822 : vector<8x128xi32>
    %select_n3A_824 = arith.select %and3A_820, %sub3A_823, %div3A_799 : vector<8x128xi1>, vector<8x128xi32>
    %iota3A_825 = tpu.iota {dimensions = array<i32: 0>} : vector<8x128xi32>
    %eq3A_826 = arith.cmpi eq, %select_n3A_824, %iota3A_825 : vector<8x128xi32>
    %jit3A_827 = arith.constant 1.000000e+00 : f32
    %jit3A_828 = arith.constant 0.000000e+00 : f32
    %broadcast_in_dim3A_829 = vector.broadcast %jit3A_827 : f32 to vector<8x128xf32>
    %broadcast_in_dim3A_830 = vector.broadcast %jit3A_828 : f32 to vector<8x128xf32>
    %select_n3A_831 = arith.select %eq3A_826, %broadcast_in_dim3A_829, %broadcast_in_dim3A_830 : vector<8x128xi1>, vector<8x128xf32>
    %reshape3A_832 = vector.shape_cast %div3A_732 : vector<256x8x8xf32> to vector<2048x8xf32>
    %dot_general3A_833 = arith.constant dense<0.000000e+00> : vector<2048x128xf32>
    %dot_general3A_834 = tpu.matmul %reshape3A_832, %select_n3A_831, %dot_general3A_833 {dimension_numbers = #tpu.dot_dimension_numbers<[1], [0], [0], [1], [0, 0, 1, 1], [], []>, transpose_lhs_hint = false} : vector<2048x8xf32>, vector<8x128xf32>, vector<2048x128xf32> -> vector<2048x128xf32>
    %mul3A_835 = arith.mulf %bitcast_convert_type3A, %dot_general3A_834 : vector<2048x128xf32>
    %slice3A_836 = vector.extract_strided_slice %mul3A_835 {offsets = [0, 64], sizes = [2048, 64], strides = [1, 1]} : vector<2048x128xf32> to vector<2048x64xf32>
    %slice3A_837 = vector.extract_strided_slice %mul3A_835 {offsets = [0, 0], sizes = [2048, 64], strides = [1, 1]} : vector<2048x128xf32> to vector<2048x64xf32>
    %concatenate3A = tpu.concatenate %slice3A_836, %slice3A_837 in 1 : vector<2048x64xf32>, vector<2048x64xf32> -> vector<2048x128xf32>
    %add3A_838 = arith.addf %mul3A_835, %concatenate3A : vector<2048x128xf32>
    %slice3A_839 = vector.extract_strided_slice %add3A_838 {offsets = [0, 32], sizes = [2048, 96], strides = [1, 1]} : vector<2048x128xf32> to vector<2048x96xf32>
    %slice3A_840 = vector.extract_strided_slice %add3A_838 {offsets = [0, 0], sizes = [2048, 32], strides = [1, 1]} : vector<2048x128xf32> to vector<2048x32xf32>
    %concatenate3A_841 = tpu.concatenate %slice3A_839, %slice3A_840 in 1 : vector<2048x96xf32>, vector<2048x32xf32> -> vector<2048x128xf32>
    %add3A_842 = arith.addf %add3A_838, %concatenate3A_841 : vector<2048x128xf32>
    %slice3A_843 = vector.extract_strided_slice %add3A_842 {offsets = [0, 16], sizes = [2048, 112], strides = [1, 1]} : vector<2048x128xf32> to vector<2048x112xf32>
    %slice3A_844 = vector.extract_strided_slice %add3A_842 {offsets = [0, 0], sizes = [2048, 16], strides = [1, 1]} : vector<2048x128xf32> to vector<2048x16xf32>
    %concatenate3A_845 = tpu.concatenate %slice3A_843, %slice3A_844 in 1 : vector<2048x112xf32>, vector<2048x16xf32> -> vector<2048x128xf32>
    %add3A_846 = arith.addf %add3A_842, %concatenate3A_845 : vector<2048x128xf32>
    %slice3A_847 = vector.extract_strided_slice %add3A_846 {offsets = [0, 0], sizes = [2048, 16], strides = [1, 1]} : vector<2048x128xf32> to vector<2048x16xf32>
    %mul3A_848 = arith.mulf %bitcast_convert_type3A_795, %dot_general3A_834 : vector<2048x128xf32>
    %slice3A_849 = vector.extract_strided_slice %mul3A_848 {offsets = [0, 64], sizes = [2048, 64], strides = [1, 1]} : vector<2048x128xf32> to vector<2048x64xf32>
    %slice3A_850 = vector.extract_strided_slice %mul3A_848 {offsets = [0, 0], sizes = [2048, 64], strides = [1, 1]} : vector<2048x128xf32> to vector<2048x64xf32>
    %concatenate3A_851 = tpu.concatenate %slice3A_849, %slice3A_850 in 1 : vector<2048x64xf32>, vector<2048x64xf32> -> vector<2048x128xf32>
    %add3A_852 = arith.addf %mul3A_848, %concatenate3A_851 : vector<2048x128xf32>
    %slice3A_853 = vector.extract_strided_slice %add3A_852 {offsets = [0, 32], sizes = [2048, 96], strides = [1, 1]} : vector<2048x128xf32> to vector<2048x96xf32>
    %slice3A_854 = vector.extract_strided_slice %add3A_852 {offsets = [0, 0], sizes = [2048, 32], strides = [1, 1]} : vector<2048x128xf32> to vector<2048x32xf32>
    %concatenate3A_855 = tpu.concatenate %slice3A_853, %slice3A_854 in 1 : vector<2048x96xf32>, vector<2048x32xf32> -> vector<2048x128xf32>
    %add3A_856 = arith.addf %add3A_852, %concatenate3A_855 : vector<2048x128xf32>
    %slice3A_857 = vector.extract_strided_slice %add3A_856 {offsets = [0, 16], sizes = [2048, 112], strides = [1, 1]} : vector<2048x128xf32> to vector<2048x112xf32>
    %slice3A_858 = vector.extract_strided_slice %add3A_856 {offsets = [0, 0], sizes = [2048, 16], strides = [1, 1]} : vector<2048x128xf32> to vector<2048x16xf32>
    %concatenate3A_859 = tpu.concatenate %slice3A_857, %slice3A_858 in 1 : vector<2048x112xf32>, vector<2048x16xf32> -> vector<2048x128xf32>
    %add3A_860 = arith.addf %add3A_856, %concatenate3A_859 : vector<2048x128xf32>
    %slice3A_861 = vector.extract_strided_slice %add3A_860 {offsets = [0, 0], sizes = [2048, 16], strides = [1, 1]} : vector<2048x128xf32> to vector<2048x16xf32>
    %concatenate3A_862 = tpu.concatenate %slice3A_847, %slice3A_861 in 1 : vector<2048x16xf32>, vector<2048x16xf32> -> vector<2048x32xf32>
    %add3A_863 = arith.addf %dot_general3A_758, %concatenate3A_862 : vector<2048x32xf32>
    %transpose3A_864 = tpu.transpose %get3A_10, [1, 0] : vector<32x32xf32> -> vector<32x32xf32>
    %dot_general3A_865 = arith.constant dense<0.000000e+00> : vector<2048x32xf32>
    %dot_general3A_866 = tpu.matmul %add3A_863, %transpose3A_864, %dot_general3A_865 {dimension_numbers = #tpu.dot_dimension_numbers<[1], [0], [0], [1], [0, 0, 1, 1], [], []>, transpose_lhs_hint = false} : vector<2048x32xf32>, vector<32x32xf32>, vector<2048x32xf32> -> vector<2048x32xf32>
    %add3A_867 = vector.broadcast %get3A_13 : vector<1x32xf32> to vector<2048x32xf32>
    %add3A_868 = arith.addf %dot_general3A_866, %add3A_867 : vector<2048x32xf32>
    %logistic3A = arith.negf %add3A_868 : vector<2048x32xf32>
    %logistic3A_869 = math.exp %logistic3A : vector<2048x32xf32>
    %logistic3A_870 = arith.constant 1.000000e+00 : f32
    %logistic3A_871 = vector.broadcast %logistic3A_870 : f32 to vector<2048x32xf32>
    %logistic3A_872 = arith.addf %logistic3A_871, %logistic3A_869 : vector<2048x32xf32>
    %logistic3A_873 = arith.divf %logistic3A_871, %logistic3A_872 : vector<2048x32xf32>
    %broadcast_in_dim3A_874 = vector.shape_cast %div3A_718 : vector<256x8xf32> to vector<256x8x1xf32>
    %reshape3A_875 = vector.shape_cast %dot_general3A_758 : vector<2048x32xf32> to vector<256x8x32xf32>
    %mul3A_876 = vector.broadcast %broadcast_in_dim3A_874 : vector<256x8x1xf32> to vector<256x8x32xf32>
    %mul3A_877 = arith.mulf %mul3A_876, %reshape3A_875 : vector<256x8x32xf32>
    %reduce_sum3A_878 = arith.constant dense<0.000000e+00> : vector<256x32xf32>
    %reduce_sum3A_879 = vector.multi_reduction <add>, %mul3A_877, %reduce_sum3A_878 [1] : vector<256x8x32xf32> to vector<256x32xf32>
    %add3A_880 = arith.addf %dot_general3A_787, %reduce_sum3A_879 : vector<256x32xf32>
    %transpose3A_881 = tpu.transpose %get3A_10, [1, 0] : vector<32x32xf32> -> vector<32x32xf32>
    %dot_general3A_882 = arith.constant dense<0.000000e+00> : vector<256x32xf32>
    %dot_general3A_883 = tpu.matmul %add3A_880, %transpose3A_881, %dot_general3A_882 {dimension_numbers = #tpu.dot_dimension_numbers<[1], [0], [0], [1], [0, 0, 1, 1], [], []>, transpose_lhs_hint = false} : vector<256x32xf32>, vector<32x32xf32>, vector<256x32xf32> -> vector<256x32xf32>
    %add3A_884 = vector.broadcast %get3A_13 : vector<1x32xf32> to vector<256x32xf32>
    %add3A_885 = arith.addf %dot_general3A_883, %add3A_884 : vector<256x32xf32>
    %logistic3A_886 = arith.negf %add3A_885 : vector<256x32xf32>
    %logistic3A_887 = math.exp %logistic3A_886 : vector<256x32xf32>
    %logistic3A_888 = arith.constant 1.000000e+00 : f32
    %logistic3A_889 = vector.broadcast %logistic3A_888 : f32 to vector<256x32xf32>
    %logistic3A_890 = arith.addf %logistic3A_889, %logistic3A_887 : vector<256x32xf32>
    %logistic3A_891 = arith.divf %logistic3A_889, %logistic3A_890 : vector<256x32xf32>
    %broadcast_in_dim3A_892 = vector.shape_cast %div3A_718 : vector<256x8xf32> to vector<256x8x1xf32>
    %reshape3A_893 = vector.shape_cast %logistic3A_873 : vector<2048x32xf32> to vector<256x8x32xf32>
    %mul3A_894 = vector.broadcast %broadcast_in_dim3A_892 : vector<256x8x1xf32> to vector<256x8x32xf32>
    %mul3A_895 = arith.mulf %mul3A_894, %reshape3A_893 : vector<256x8x32xf32>
    %reduce_sum3A_896 = arith.constant dense<0.000000e+00> : vector<256x32xf32>
    %reduce_sum3A_897 = vector.multi_reduction <add>, %mul3A_895, %reduce_sum3A_896 [1] : vector<256x8x32xf32> to vector<256x32xf32>
    %add3A_898 = arith.addf %logistic3A_891, %reduce_sum3A_897 : vector<256x32xf32>
    %transpose3A_899 = tpu.transpose %get3A_7, [1, 0] : vector<32x32xf32> -> vector<32x32xf32>
    %dot_general3A_900 = arith.constant dense<0.000000e+00> : vector<256x32xf32>
    %dot_general3A_901 = tpu.matmul %add3A_898, %transpose3A_899, %dot_general3A_900 {dimension_numbers = #tpu.dot_dimension_numbers<[1], [0], [0], [1], [0, 0, 1, 1], [], []>, transpose_lhs_hint = false} : vector<256x32xf32>, vector<32x32xf32>, vector<256x32xf32> -> vector<256x32xf32>
    %add3A_902 = vector.broadcast %get3A_13 : vector<1x32xf32> to vector<256x32xf32>
    %add3A_903 = arith.addf %dot_general3A_901, %add3A_902 : vector<256x32xf32>
    %tanh3A = math.tanh %add3A_903 : vector<256x32xf32>
    %mul3A_904 = arith.mulf %get3A_1, %tanh3A : vector<256x32xf32>
    %reduce_sum3A_905 = arith.constant dense<0.000000e+00> : vector<256xf32>
    %reduce_sum3A_906 = vector.multi_reduction <add>, %mul3A_904, %reduce_sum3A_905 [1] : vector<256x32xf32> to vector<256xf32>
    %logistic3A_907 = arith.negf %reduce_sum3A_906 : vector<256xf32>
    %logistic3A_908 = math.exp %logistic3A_907 : vector<256xf32>
    %logistic3A_909 = arith.constant 1.000000e+00 : f32
    %logistic3A_910 = vector.broadcast %logistic3A_909 : f32 to vector<256xf32>
    %logistic3A_911 = arith.addf %logistic3A_910, %logistic3A_908 : vector<256xf32>
    %logistic3A_912 = arith.divf %logistic3A_910, %logistic3A_911 : vector<256xf32>
    %swap3A = arith.constant 0 : index
    %swap3A_913 = vector.load %arg11[%swap3A] : memref<256xf32, #tpu.memory_space<vmem>>, vector<256xf32>
    tpu.vector_store %arg11[%swap3A], %logistic3A_912 {strides = array<i32>} : memref<256xf32, #tpu.memory_space<vmem>>, vector<256xf32>,
    return
  }
  func.func @transform_0(%arg0: i32) -> (i32, i32) {
    %c0_i32 = arith.constant 0 : i32
    %c0_i32_0 = arith.constant 0 : i32
    return %arg0, %c0_i32 : i32, i32
  }
  func.func @transform_1(%arg0: i32) -> (i32, i32) {
    %c0_i32 = arith.constant 0 : i32
    %c0_i32_0 = arith.constant 0 : i32
    return %arg0, %c0_i32 : i32, i32
  }
  func.func @transform_2(%arg0: i32) -> (i32, i32) {
    %c0_i32 = arith.constant 0 : i32
    %c0_i32_0 = arith.constant 0 : i32
    return %arg0, %c0_i32 : i32, i32
  }
  func.func @transform_3(%arg0: i32) -> (i32, i32) {
    %c0_i32 = arith.constant 0 : i32
    %c0_i32_0 = arith.constant 0 : i32
    return %arg0, %c0_i32 : i32, i32
  }
  func.func @transform_4(%arg0: i32) -> (i32, i32) {
    %c0_i32 = arith.constant 0 : i32
    %c0_i32_0 = arith.constant 0 : i32
    return %arg0, %c0_i32 : i32, i32
  }
  func.func @transform_5(%arg0: i32) -> (i32, i32) {
    %c0_i32 = arith.constant 0 : i32
    %c0_i32_0 = arith.constant 0 : i32
    return %arg0, %c0_i32 : i32, i32
  }
  func.func @transform_6(%arg0: i32) -> (i32, i32) {
    %c0_i32 = arith.constant 0 : i32
    %c0_i32_0 = arith.constant 0 : i32
    %c0_i32_1 = arith.constant 0 : i32
    return %c0_i32, %c0_i32_0 : i32, i32
  }
  func.func @transform_7(%arg0: i32) -> (i32, i32) {
    %c0_i32 = arith.constant 0 : i32
    %c0_i32_0 = arith.constant 0 : i32
    %c0_i32_1 = arith.constant 0 : i32
    return %c0_i32, %c0_i32_0 : i32, i32
  }
  func.func @transform_8(%arg0: i32) -> (i32, i32) {
    %c0_i32 = arith.constant 0 : i32
    %c0_i32_0 = arith.constant 0 : i32
    %c0_i32_1 = arith.constant 0 : i32
    return %c0_i32, %c0_i32_0 : i32, i32
  }
  func.func @transform_9(%arg0: i32) -> (i32, i32) {
    %c0_i32 = arith.constant 0 : i32
    %c0_i32_0 = arith.constant 0 : i32
    %c0_i32_1 = arith.constant 0 : i32
    return %c0_i32, %c0_i32_0 : i32, i32
  }
  func.func @transform_10(%arg0: i32) -> i32 {
    %c0_i32 = arith.constant 0 : i32
    return %arg0 : i32
  }
}

</mosaic_0001>

<sc_bundles>
// kernel: kernel.12.cloned.1.call-start
scs
__scs_entry_jumppad:
0x0: {  	(pc) =	sbr.rel $0x88, $3  }
0x1: {  	(tag) =	ssettag $0x0;
	lr =	simm.s32 $0x1  }
0x2: {  	[smem:$0x3F97] =	sst lr;
	_ =	strace $0xD0000000  }
0x3: {  	_ = 	snop  }
0x4: {  	_ = 	snop  }
0x5: {  	_ = 	snop  }
0x6: {  	_ = 	snop  }
0x7: {  	_ = 	snop  }
__scs_overlays_trampoline_lowered:
0x8: {  	[smem:$0x3FA6] =	sst s0  }
0x9: {  	[smem:$0x3FA7] =	sst s1  }
0xa: {  	[smem:$0x3FA8] =	sst s2  }
0xb: {  	[smem:$0x3FA9] =	sst s3  }
0xc: {  	[smem:$0x3FAA] =	sst s4  }
0xd: {  	[smem:$0x3FAB] =	sst s5  }
0xe: {  	[smem:$0x3FAC] =	sst s6  }
0xf: {  	[smem:$0x3FAD] =	sst s7  }
0x10: {  	[smem:$0x3FAE] =	sst s8  }
0x11: {  	[smem:$0x3FAF] =	sst s9;
	s0 =	simm.s32 @!p0 $0x0  }
0x12: {  	s1 =	sld [smem:$0x3F95];
	s0 =	simm.s32 @p0 $0x1  }
0x13: {  	[smem:$0x3FB0] =	sst s0;
	s0 =	simm.s32 @!p1 $0x0  }
0x14: {  	s2 =	sld [smem:$0x3F94];
	s0 =	simm.s32 @p1 $0x1  }
0x15: {  	[smem:$0x3FB1] =	sst s0;
	s0 =	simm.s32 @!p2 $0x0  }
0x16: {  	s3 =	sld [smem:$0x3FDB];
	s0 =	simm.s32 @p2 $0x1  }
0x17: {  	s4 =	simm.s32 $0x1BF5;
	[smem:$0x3FB3] =	sst s0  }
0x18: {  	s0 =	sld [smem:$0x3F96];
	_ =	swait.ge [sflag:s4], $0x0  }
0x19: {  	s7 =	sld [smem:$0x3F97]  }
0x1a: {  	s8 =	sadd.s32 $0xFFFFE003, lr  }
0x1b: {  	s9 =	sadd.s32 $0xFFFFFEF7, lr;
	s5 =	simm.s32 $0xFFFFFFFF;
	p2 =	slt.u32 s8, $0xFFFFF086  }
0x1c: {  	p1 =	slt.u32 s9, $0xF7A;
	s5 =	simm.s32 @!p2 $0x0  }
0x1d: {  	s5 =	simm.s32 @p1 $0x1;
	p0 =	seq.s32 s7, s2  }
0x1e: {  	s7 =	smul.u32 @!p0 $0xF7A, s2;
	p2 =	seq.s32 @!p0 s5, $0x0  }
0x1f: {  	s9 =	smul.u32 $0xF7A, s1;
	s8 =	simm.s32 @!p0 $0x1BF5;
	p2 =	por !p2, p0  }
0x20: {  	[sflag:s8] =	ssyncset.s32 @!p0 $0xFFFFF086;
	s6 =	sadd.s32 @!p0 s3, s7;
	s7 =	simm.s32 @!p0 $0x108  }
0x21: {  	s3 =	sadd.s32 s3, s9;
	s6 =	sadd.s32 @!p0 $0x88, s6;
	s7 =	simm.s32 @p2 $0x1082  }
0x22: {  	[simem:s7], [sflag:s8] =	dma.local @!p0 [hbm:s6], $0xF7A  }
0x23: {  	s9 =	sor.u32 $0xD0000000, s2;
	s6 =	simm.s32 $0x108;
	_ =	swait.ge @!p0 [sflag:s8], $0x0  }
0x24: {  	s3 =	sadd.s32 $0x88, s3;
	s6 =	simm.s32 @!p1 $0x1082;
	[sflag:s4] =	ssyncset.s32 $0xFFFFF086  }
0x25: {  	[simem:s6], [sflag:s4] =	dma.local [hbm:s3], $0xF7A  }
0x26: {  	[smem:$0x3F97] =	sst s1;
	(tag) =	ssettag s2;
	_ =	strace s9  }
0x27: {  	s1 =	sld [smem:$0x3FA7]  }
0x28: {  	s2 =	sld [smem:$0x3FA8]  }
0x29: {  	s4 =	sld [smem:$0x3FAA]  }
0x2a: {  	p0 =	seq.s32 s5, $0x0;
	s5 =	sld [smem:$0x3FAB]  }
0x2b: {  	s6 =	sld [smem:$0x3FAC]  }
0x2c: {  	s7 =	sld [smem:$0x3FAD]  }
0x2d: {  	s3 =	simm.s32 $0x108;
	s8 =	sld [smem:$0x3FAE]  }
0x2e: {  	s3 =	simm.s32 @!p0 $0x1082;
	s9 =	sld [smem:$0x3FAF]  }
0x2f: {  	lr =	sadd.s32 s0, s3;
	s0 =	sld [smem:$0x3FA6]  }
0x30: {  	s3 =	sld [smem:$0x3FA9]  }
0x31: {  	[smem:$0x3FB2] =	sst s10  }
0x32: {  	s10 =	sld [smem:$0x3FB0];
	_ =	sdelay $0x3  }
0x33: {  	p0 =	seq.s32 s10, $0x1;
	s10 =	sld [smem:$0x3FB2];
	_ =	sdelay $0x3  }
0x34: {  	[smem:$0x3FB2] =	sst s10  }
0x35: {  	s10 =	sld [smem:$0x3FB1];
	_ =	sdelay $0x3  }
0x36: {  	p1 =	seq.s32 s10, $0x1;
	s10 =	sld [smem:$0x3FB2];
	_ =	sdelay $0x3  }
0x37: {  	[smem:$0x3FB2] =	sst s10  }
0x38: {  	s10 =	sld [smem:$0x3FB3]  }
0x39: {  	_ = 	snop;
	(pc) =	sbr.ind lr, $3  }
0x3a: {  	_ = 	snop  }
0x3b: {  	_ = 	snop  }
0x3c: {  	p2 =	seq.s32 s10, $0x1;
	s10 =	sld [smem:$0x3FB2]  }
0x3d: {  	_ =	shalt  }
0x3e: {  	_ =	shalt  }
0x3f: {  	_ =	shalt  }
0x40: {  	_ =	shalt  }
0x41: {  	_ =	shalt  }
0x42: {  	_ =	shalt  }
0x43: {  	_ =	shalt  }
0x44: {  	_ =	shalt  }
0x45: {  	_ =	shalt  }
0x46: {  	_ =	shalt  }
0x47: {  	_ =	shalt  }
0x48: {  	_ =	shalt  }
0x49: {  	_ =	shalt  }
0x4a: {  	_ =	shalt  }
0x4b: {  	_ =	shalt  }
0x4c: {  	_ =	shalt  }
0x4d: {  	_ =	shalt  }
0x4e: {  	_ =	shalt  }
0x4f: {  	_ =	shalt  }
0x50: {  	_ =	shalt  }
0x51: {  	_ =	shalt  }
0x52: {  	_ =	shalt  }
0x53: {  	_ =	shalt  }
0x54: {  	_ =	shalt  }
0x55: {  	_ =	shalt  }
0x56: {  	_ =	shalt  }
0x57: {  	_ =	shalt  }
0x58: {  	_ =	shalt  }
0x59: {  	_ =	shalt  }
0x5a: {  	_ =	shalt  }
0x5b: {  	_ =	shalt  }
0x5c: {  	_ =	shalt  }
0x5d: {  	_ =	shalt  }
0x5e: {  	_ =	shalt  }
0x5f: {  	_ =	shalt  }
0x60: {  	_ =	shalt  }
0x61: {  	_ =	shalt  }
0x62: {  	_ =	shalt  }
0x63: {  	_ =	shalt  }
0x64: {  	_ =	shalt  }
0x65: {  	_ =	shalt  }
0x66: {  	_ =	shalt  }
0x67: {  	_ =	shalt  }
0x68: {  	_ =	shalt  }
0x69: {  	_ =	shalt  }
0x6a: {  	_ =	shalt  }
0x6b: {  	_ =	shalt  }
0x6c: {  	_ =	shalt  }
0x6d: {  	_ =	shalt  }
0x6e: {  	_ =	shalt  }
0x6f: {  	_ =	shalt  }
0x70: {  	_ =	shalt  }
0x71: {  	_ =	shalt  }
0x72: {  	_ =	shalt  }
0x73: {  	_ =	shalt  }
0x74: {  	_ =	shalt  }
0x75: {  	_ =	shalt  }
0x76: {  	_ =	shalt  }
0x77: {  	_ =	shalt  }
0x78: {  	_ =	shalt  }
0x79: {  	_ =	shalt  }
0x7a: {  	_ =	shalt  }
0x7b: {  	_ =	shalt  }
0x7c: {  	_ =	shalt  }
0x7d: {  	_ =	shalt  }
0x7e: {  	_ =	shalt  }
0x7f: {  	_ =	shalt  }
0x80: {  	_ =	shalt  }
0x81: {  	_ =	shalt  }
0x82: {  	_ =	shalt  }
0x83: {  	_ =	shalt  }
0x84: {  	_ =	shalt  }
0x85: {  	_ =	shalt  }
0x86: {  	_ =	shalt  }
0x87: {  	_ =	shalt  }
.Lfunc_end0:
.L_simem_size_0:
called_computation.3_lowered:
.L_overlay_start_0:
0x88: {  	s2 =	sld [smem:$0x3FD9]  }
0x89: {  	s3 =	sld [smem:$0x3FFE];
	_ =	sdelay $0x1  }
0x8a: {  	s1 =	srdreg.scid  }
0x8b: {  	s0 =	sand.u32 $0x1, s1  }
0x8c: {  	s16 =	sshll.u32 s0, $0xA;
	s2 =	sadd.s32 s3, s2  }
0x8d: {  	s2 =	sadd.s32 s2, s16  }
0x8e: {  	[smem:$0x3FBE] =	sst s2  }
0x8f: {  	_ = 	snop  }
0x90: {  	(tm) =	ssettm $0x1  }
0x91: {  	s17 =	sld [smem:$0x3FFB];
	_ =	sdelay $0x3  }
0x92: {  	_ =	strace s17  }
0x93: {  	s2 =	sld [smem:$0x3FFC];
	_ =	sdelay $0x3  }
0x94: {  	_ =	strace s2  }
0x95: {  	s2 =	sld [smem:$0x3FFD];
	_ =	sdelay $0x3  }
0x96: {  	_ =	strace s2  }
0x97: {  	_ =	strace $0x8FFFFFFF  }
0x98: {  	s18 =	sld [smem:$0x3FDB];
	_ =	sdelay $0x1  }
0x99: {  	s19 =	simm.s32 $_scs_section_size  }
0x9a: {  	s4 =	simm.s32 $_size__tile_overlayer_lowered;
	s5 =	simm.s32 $_tile_overlayer_lowered  }
0x9b: {  	s22 =	simm.s32 $0x1BFF;
	s21 =	sshll.u32 s5, $0x1;
	s2 =	sadd.s32 s19, s18  }
0x9c: {  	s6 =	simm.s32 $0x0;
	s20 =	sshll.u32 s4, $0x1;
	s4 =	sadd.s32 s21, s2  }
0x9d: {  	[timem:s6], [sflag:s22] =	dma.local [hbm:s4], s20  }
0x9e: {  	_ =	swait.ge [sflag:s22], s20  }
0x9f: {  	s3 =	ssub.s32 $0x0, s20;
	[sflag:s22] =	ssyncset.done $0x0  }
0xa0: {  	[sflag:s22] =	ssyncadd.s32 s3;
	_ =	sdelay $0x1  }
0xa1: {  	s23 =	simm.s32 $0x1B8B  }
0xa2: {  	_ =	swait.ge [sflag:s23], $0x1  }
0xa3: {  	[sflag:s23] =	ssyncset.done $0x0  }
0xa4: {  	s25 =	simm.s32 $0x1B8E;
	s24 =	sld [smem:$0x3FFE];
	[sflag:s23] =	ssyncadd.s32 $0xFFFFFFFF  }
0xa5: {  	s26 =	simm.s32 $execute0_lowered;
	[smem:$0x3FD2] =	sst s25  }
0xa6: {  	s4 =	sshll.u32 s26, $0x1;
	_ =	strace $0x8000004F;
	[dreg:$0x1] =	wrdreg $0xFFFFFFFF  }
0xa7: {  	s28 =	simm.s32 $_size_execute0_lowered;
	s2 =	sadd.s32 s2, s4;
	[dreg:$0x0] =	wrdreg $0x0  }
0xa8: {  	s4 =	sshll.u32 s28, $0x1;
	[dreg:$0x2] =	wrdreg s2  }
0xa9: {  	[dreg:$0x3] =	wrdreg s4  }
0xaa: {  	[dreg:$0x4] =	wrdreg $0xC0  }
0xab: {  	_ =	task [dreg:s6], $0x5FFFF  }
0xac: {  	[dreg:$0x1] =	wrdreg $0xFFFFFFFF  }
0xad: {  	[dreg:$0x0] =	wrdreg $0x60  }
0xae: {  	[dreg:$0x2] =	wrdreg s24  }
0xaf: {  	[dreg:$0x3] =	wrdreg $0x9  }
0xb0: {  	_ =	task.clear_ibuf [dreg:s6], $0x4FFFF;
	_ =	strace $0x9000004F  }
0xb1: {  	s29 =	simm.s32 $0x9;
	_ =	strace $0x80000051  }
0xb2: {  	_ =	swait.ge [sflag:s29], $0x1  }
0xb3: {  	[sflag:s29] =	ssyncadd.s32 $0xFFFFFFFF  }
0xb4: {  	_ =	strace $0x90000051  }
0xb5: {  	_ =	sfence  }
0xb6: {  	s30 =	sld [smem:$0x0];
	_ =	sdelay $0x2  }
0xb7: {  	s31 =	sshll.u32 s1, $0xD;
	s1 =	sshrl.u32 s1, $0x2  }
0xb8: {  	s3 =	sand.u32 $0x4000, s31;
	s1 =	sadd.s32 s1, s30  }
0xb9: {  	s0 =	sor.u32 s3, s0;
	s1 =	sshll.u32 s1, $0x11  }
0xba: {  	s0 =	sor.u32 s1, s0  }
0xbb: {  	s0 =	sadd.s32 $0x8F2B, s0  }
0xbc: {  	[sflag:s0] =	ssyncadd.remote.s32 $0x1  }
0xbd: {  	_ =	sfence.sel $0xFFFF  }
0xbe: {  	[dreg:$0x0] =	wrdreg $0xFFFFFFFF;
	(pc) =	sbr.abs _section_cstart, $3  }
0xbf: {  	[dreg:$0x1] =	wrdreg $0xFFFFFFFF  }
0xc0: {  	_ =	task.clear_ibuf [dreg:s6], $0x2FFFF;
	_ =	strace $0x9FFFFFFF  }
0xc1: {  	(tm) =	ssettm $0x7FFFFFFF  }
tec
execute0_lowered:
.L_overlay_start_1:
0x0: {  	(tag) =	ssettag $0x1  }
0x1: {  	s3 =	rddreg [dreg:$0x0];
	s2 =	srdreg.scid  }
0x2: {  	s0 =	rddreg [dreg:$0x1];
	s1 =	stileid.u32  }
0x3: {  	s9 =	simm.s32 $0x1;
	s10 =	simm.s32 $0x0;
	s4 =	sand.u32 $0x1, s2  }
0x4: {  	s2 =	simm.s32 $0x0;
	s5 =	sshll.u32 s1, $0x10;
	s30 =	sshll.u32 s1, $0x11  }
0x5: {  	s6 =	sshll.u32 s4, $0xF;
	[smem:$0x7FF] =	sst s2;
	s29 =	ssub.s32 $0x2, s4  }
0x6: {  	s31 =	sshll.u32 s4, $0x10;
	s5 =	sor.u32 s6, s5;
	s8 =	sshrl.u32 s29, $0x1  }
0x7: {  	_ =	strace $0x80000050;
	s5 =	sshrl.u32 s5, $0x3;
	s6 =	ssub.s32 s29, s8  }
0x8: {  	s8 =	simm.s32 $0x800;
	s7 =	sadd.s32 s5, s3;
	s5 =	sadd.s32 s30, s3  }
0x9: {  	s3 =	sadd.s32 $0x2A00, s3;
	s4 =	smax.u32 s6, $0x1;
	s5 =	sadd.s32 s31, s5  }
0xa: {  	s6 =	sadd.s32 $0x65BA00, s7;
	s7 =	simm.s32 $0x2;
	s5 =	sadd.s32 $0x67BA00, s5  }
.LBB2_1:
0xb: {  	s11 =	sadd.s32 $0x0, s6  }
0xc: {  	[tilespmem:s2], [sflag:$0x2] =	stream.linear.gather [hbm4b:s11+s2], $0x800, $0x38;
	[tilespmem:$0x8800] =	vst v63  }
0xd: {  	_ =	swait.ge [sflag:s7], $0x800  }
0xe: {  	[sflag:s7] =	ssyncset.done $0x0  }
0xf: {  	[sflag:s7] =	ssyncadd.s32 $0xFFFFF800  }
0x10: {  	[tilespmem:s8], [sflag:$0x1] =	stream.indirect.gather [hbm4b:s3+s8], $0x10, s2, s8, $0xb8;
	[tilespmem:$0x8800] =	vst v63  }
0x11: {  	_ =	swait.ge [sflag:s9], $0x8000  }
0x12: {  	[sflag:s9] =	ssyncset.done $0x0  }
0x13: {  	[sflag:s9] =	ssyncadd.s32 $0xFFFF8000  }
0x14: {  	[hbm4b:s5+s2] =	stream.linear.scatter [tilespmem:s8], [sflag:$0x2], $0x8000, $0x38;
	[tilespmem:$0x8800] =	vst v63  }
0x15: {  	s12 =	simm.s32 $0x100;
	_ =	swait.ge [sflag:s7], $0x8000  }
0x16: {  	s13 =	simm.s32 $0x200;
	s11 =	sadd.s32 $0x1000, s5;
	[sflag:s7] =	ssyncset.done $0x0  }
.LBB2_2:
0x17: {  	s14 =	sadd.s32 s12, s6  }
0x18: {  	[sflag:s7] =	ssyncadd.s32 $0xFFFF8000;
	s12 =	smov.u32 s13;
	s15 =	sadd.s32 $0x100, s13  }
0x19: {  	[tilespmem:s2], [sflag:$0x2] =	stream.linear.gather [hbm4b:s14+s2], $0x800, $0x38;
	[tilespmem:$0x8800] =	vst v63  }
0x1a: {  	p0 =	sne.s32 s13, $0xF00;
	_ =	swait.ge [sflag:s7], $0x800  }
0x1b: {  	[sflag:s7] =	ssyncset.done $0x0  }
0x1c: {  	[sflag:s7] =	ssyncadd.s32 $0xFFFFF800  }
0x1d: {  	[tilespmem:s8], [sflag:$0x1] =	stream.indirect.gather [hbm4b:s3+s8], $0x10, s2, s8, $0xb8;
	[tilespmem:$0x8800] =	vst v63  }
0x1e: {  	_ =	swait.ge [sflag:s9], $0x8000  }
.Ltmp0:
0x1f: {  	[sflag:s9] =	ssyncset.done $0x0;
	(pc) =	sbr.rel @p0 .LBB2_2-.Ltmp0, $4  }
0x20: {  	[sflag:s9] =	ssyncadd.s32 $0xFFFF8000  }
0x21: {  	[hbm4b:s11+s2] =	stream.linear.scatter [tilespmem:s8], [sflag:$0x2], $0x8000, $0x38;
	[tilespmem:$0x8800] =	vst v63  }
0x22: {  	_ =	swait.ge [sflag:s7], $0x8000  }
0x23: {  	s13 =	smov.u32 s15;
	s11 =	sadd.s32 $0x1000, s11;
	[sflag:s7] =	ssyncset.done $0x0  }
0x24: {  	s12 =	sadd.s32 s12, s6;
	[sflag:s7] =	ssyncadd.s32 $0xFFFF8000  }
0x25: {  	[tilespmem:s2], [sflag:$0x2] =	stream.linear.gather [hbm4b:s12+s2], $0x800, $0x38;
	[tilespmem:$0x8800] =	vst v63  }
0x26: {  	_ =	swait.ge [sflag:s7], $0x800  }
0x27: {  	[sflag:s7] =	ssyncset.done $0x0  }
0x28: {  	[sflag:s7] =	ssyncadd.s32 $0xFFFFF800  }
0x29: {  	[tilespmem:s8], [sflag:$0x1] =	stream.indirect.gather [hbm4b:s3+s8], $0x10, s2, s8, $0xb8;
	[tilespmem:$0x8800] =	vst v63  }
0x2a: {  	s10 =	sadd.s32 $0x1, s10;
	_ =	swait.ge [sflag:s9], $0x8000  }
0x2b: {  	p0 =	sne.s32 s10, s4;
	[sflag:s9] =	ssyncset.done $0x0  }
.Ltmp1:
0x2c: {  	[sflag:s9] =	ssyncadd.s32 $0xFFFF8000;
	(pc) =	sbr.rel @p0 .LBB2_1-.Ltmp1, $4  }
0x2d: {  	[hbm4b:s11+s2] =	stream.linear.scatter [tilespmem:s8], [sflag:$0x2], $0x8000, $0x38;
	[tilespmem:$0x8800] =	vst v63  }
0x2e: {  	_ =	swait.ge [sflag:s7], $0x8000  }
0x2f: {  	[sflag:s7] =	ssyncset.done $0x0  }
0x30: {  	[sflag:s7] =	ssyncadd.s32 $0xFFFF8000  }
0x31: {  	_ =	sfence.sel $0x180000  }
0x32: {  	[bflag:$0x0] =	sbarrier.arrive $0xFFFF  }
0x33: {  	p0 =	sne.s32 s1, $0x0;
	_ =	strace $0x90000050  }
0x34: {  	s0 =	sadd.s32 @!p0 $0x100000, s0;
	[bflag:$0x2] =	sbarrier.arrive $0xFFFF  }
0x35: {  	[sflag:s0] =	ssyncadd.tile.s32 @!p0 $0x1;
	_ =	shalt  }
.Lfunc_end2:
_tile_overlayer_lowered:
.L_overlay_start_2:
0x36: {  	(tag) =	ssettag $0x2  }
0x37: {  	s0 =	rddreg [dreg:$0x0];
	s2 =	stileid.u32  }
0x38: {  	s1 =	rddreg [dreg:$0x1];
	p0 =	sne.s32 s2, $0x0  }
0x39: {  	s3 =	rddreg [dreg:$0x2];
	[bflag:$0x3] =	sbarrier.arrive $0xFFFF;
	s2 =	simm.s32 @!p0 $0x1C02  }
0x3a: {  	[timem:s3], [sflag:s2] =	dma.local @!p0 [hbm:s0], s1  }
0x3b: {  	s0 =	simm.s32 @!p0 $0x2  }
0x3c: {  	_ =	swait.ge @!p0 [sflag:s0], s1  }
0x3d: {  	s1 =	ssub.s32 @!p0 $0x0, s1;
	[sflag:s0] =	ssyncset.done @!p0 $0x0  }
0x3e: {  	[sflag:s0] =	ssyncadd.s32 @!p0 s1  }
0x3f: {  	[bflag:$0x3] =	sbarrier.arrive $0xFFFF  }
0x40: {  	_ =	shalt  }

// kernel: kernel.6.cloned.1.call-start
scs
__scs_entry_jumppad:
0x0: {  	(pc) =	sbr.rel $0x88, $3  }
0x1: {  	(tag) =	ssettag $0x0;
	lr =	simm.s32 $0x1  }
0x2: {  	[smem:$0x3F97] =	sst lr;
	_ =	strace $0xD0000000  }
0x3: {  	_ = 	snop  }
0x4: {  	_ = 	snop  }
0x5: {  	_ = 	snop  }
0x6: {  	_ = 	snop  }
0x7: {  	_ = 	snop  }
__scs_overlays_trampoline_lowered:
0x8: {  	[smem:$0x3FA6] =	sst s0  }
0x9: {  	[smem:$0x3FA7] =	sst s1  }
0xa: {  	[smem:$0x3FA8] =	sst s2  }
0xb: {  	[smem:$0x3FA9] =	sst s3  }
0xc: {  	[smem:$0x3FAA] =	sst s4  }
0xd: {  	[smem:$0x3FAB] =	sst s5  }
0xe: {  	[smem:$0x3FAC] =	sst s6  }
0xf: {  	[smem:$0x3FAD] =	sst s7  }
0x10: {  	[smem:$0x3FAE] =	sst s8  }
0x11: {  	[smem:$0x3FAF] =	sst s9;
	s0 =	simm.s32 @!p0 $0x0  }
0x12: {  	s1 =	sld [smem:$0x3F95];
	s0 =	simm.s32 @p0 $0x1  }
0x13: {  	[smem:$0x3FB0] =	sst s0;
	s0 =	simm.s32 @!p1 $0x0  }
0x14: {  	s2 =	sld [smem:$0x3F94];
	s0 =	simm.s32 @p1 $0x1  }
0x15: {  	[smem:$0x3FB1] =	sst s0;
	s0 =	simm.s32 @!p2 $0x0  }
0x16: {  	s3 =	sld [smem:$0x3FDB];
	s0 =	simm.s32 @p2 $0x1  }
0x17: {  	s4 =	simm.s32 $0x1BF5;
	[smem:$0x3FB3] =	sst s0  }
0x18: {  	s0 =	sld [smem:$0x3F96];
	_ =	swait.ge [sflag:s4], $0x0  }
0x19: {  	s7 =	sld [smem:$0x3F97]  }
0x1a: {  	s8 =	sadd.s32 $0xFFFFE003, lr  }
0x1b: {  	s9 =	sadd.s32 $0xFFFFFEF7, lr;
	s5 =	simm.s32 $0xFFFFFFFF;
	p2 =	slt.u32 s8, $0xFFFFF086  }
0x1c: {  	p1 =	slt.u32 s9, $0xF7A;
	s5 =	simm.s32 @!p2 $0x0  }
0x1d: {  	s5 =	simm.s32 @p1 $0x1;
	p0 =	seq.s32 s7, s2  }
0x1e: {  	s7 =	smul.u32 @!p0 $0xF7A, s2;
	p2 =	seq.s32 @!p0 s5, $0x0  }
0x1f: {  	s9 =	smul.u32 $0xF7A, s1;
	s8 =	simm.s32 @!p0 $0x1BF5;
	p2 =	por !p2, p0  }
0x20: {  	[sflag:s8] =	ssyncset.s32 @!p0 $0xFFFFF086;
	s6 =	sadd.s32 @!p0 s3, s7;
	s7 =	simm.s32 @!p0 $0x108  }
0x21: {  	s3 =	sadd.s32 s3, s9;
	s6 =	sadd.s32 @!p0 $0x88, s6;
	s7 =	simm.s32 @p2 $0x1082  }
0x22: {  	[simem:s7], [sflag:s8] =	dma.local @!p0 [hbm:s6], $0xF7A  }
0x23: {  	s9 =	sor.u32 $0xD0000000, s2;
	s6 =	simm.s32 $0x108;
	_ =	swait.ge @!p0 [sflag:s8], $0x0  }
0x24: {  	s3 =	sadd.s32 $0x88, s3;
	s6 =	simm.s32 @!p1 $0x1082;
	[sflag:s4] =	ssyncset.s32 $0xFFFFF086  }
0x25: {  	[simem:s6], [sflag:s4] =	dma.local [hbm:s3], $0xF7A  }
0x26: {  	[smem:$0x3F97] =	sst s1;
	(tag) =	ssettag s2;
	_ =	strace s9  }
0x27: {  	s1 =	sld [smem:$0x3FA7]  }
0x28: {  	s2 =	sld [smem:$0x3FA8]  }
0x29: {  	s4 =	sld [smem:$0x3FAA]  }
0x2a: {  	p0 =	seq.s32 s5, $0x0;
	s5 =	sld [smem:$0x3FAB]  }
0x2b: {  	s6 =	sld [smem:$0x3FAC]  }
0x2c: {  	s7 =	sld [smem:$0x3FAD]  }
0x2d: {  	s3 =	simm.s32 $0x108;
	s8 =	sld [smem:$0x3FAE]  }
0x2e: {  	s3 =	simm.s32 @!p0 $0x1082;
	s9 =	sld [smem:$0x3FAF]  }
0x2f: {  	lr =	sadd.s32 s0, s3;
	s0 =	sld [smem:$0x3FA6]  }
0x30: {  	s3 =	sld [smem:$0x3FA9]  }
0x31: {  	[smem:$0x3FB2] =	sst s10  }
0x32: {  	s10 =	sld [smem:$0x3FB0];
	_ =	sdelay $0x3  }
0x33: {  	p0 =	seq.s32 s10, $0x1;
	s10 =	sld [smem:$0x3FB2];
	_ =	sdelay $0x3  }
0x34: {  	[smem:$0x3FB2] =	sst s10  }
0x35: {  	s10 =	sld [smem:$0x3FB1];
	_ =	sdelay $0x3  }
0x36: {  	p1 =	seq.s32 s10, $0x1;
	s10 =	sld [smem:$0x3FB2];
	_ =	sdelay $0x3  }
0x37: {  	[smem:$0x3FB2] =	sst s10  }
0x38: {  	s10 =	sld [smem:$0x3FB3]  }
0x39: {  	_ = 	snop;
	(pc) =	sbr.ind lr, $3  }
0x3a: {  	_ = 	snop  }
0x3b: {  	_ = 	snop  }
0x3c: {  	p2 =	seq.s32 s10, $0x1;
	s10 =	sld [smem:$0x3FB2]  }
0x3d: {  	_ =	shalt  }
0x3e: {  	_ =	shalt  }
0x3f: {  	_ =	shalt  }
0x40: {  	_ =	shalt  }
0x41: {  	_ =	shalt  }
0x42: {  	_ =	shalt  }
0x43: {  	_ =	shalt  }
0x44: {  	_ =	shalt  }
0x45: {  	_ =	shalt  }
0x46: {  	_ =	shalt  }
0x47: {  	_ =	shalt  }
0x48: {  	_ =	shalt  }
0x49: {  	_ =	shalt  }
0x4a: {  	_ =	shalt  }
0x4b: {  	_ =	shalt  }
0x4c: {  	_ =	shalt  }
0x4d: {  	_ =	shalt  }
0x4e: {  	_ =	shalt  }
0x4f: {  	_ =	shalt  }
0x50: {  	_ =	shalt  }
0x51: {  	_ =	shalt  }
0x52: {  	_ =	shalt  }
0x53: {  	_ =	shalt  }
0x54: {  	_ =	shalt  }
0x55: {  	_ =	shalt  }
0x56: {  	_ =	shalt  }
0x57: {  	_ =	shalt  }
0x58: {  	_ =	shalt  }
0x59: {  	_ =	shalt  }
0x5a: {  	_ =	shalt  }
0x5b: {  	_ =	shalt  }
0x5c: {  	_ =	shalt  }
0x5d: {  	_ =	shalt  }
0x5e: {  	_ =	shalt  }
0x5f: {  	_ =	shalt  }
0x60: {  	_ =	shalt  }
0x61: {  	_ =	shalt  }
0x62: {  	_ =	shalt  }
0x63: {  	_ =	shalt  }
0x64: {  	_ =	shalt  }
0x65: {  	_ =	shalt  }
0x66: {  	_ =	shalt  }
0x67: {  	_ =	shalt  }
0x68: {  	_ =	shalt  }
0x69: {  	_ =	shalt  }
0x6a: {  	_ =	shalt  }
0x6b: {  	_ =	shalt  }
0x6c: {  	_ =	shalt  }
0x6d: {  	_ =	shalt  }
0x6e: {  	_ =	shalt  }
0x6f: {  	_ =	shalt  }
0x70: {  	_ =	shalt  }
0x71: {  	_ =	shalt  }
0x72: {  	_ =	shalt  }
0x73: {  	_ =	shalt  }
0x74: {  	_ =	shalt  }
0x75: {  	_ =	shalt  }
0x76: {  	_ =	shalt  }
0x77: {  	_ =	shalt  }
0x78: {  	_ =	shalt  }
0x79: {  	_ =	shalt  }
0x7a: {  	_ =	shalt  }
0x7b: {  	_ =	shalt  }
0x7c: {  	_ =	shalt  }
0x7d: {  	_ =	shalt  }
0x7e: {  	_ =	shalt  }
0x7f: {  	_ =	shalt  }
0x80: {  	_ =	shalt  }
0x81: {  	_ =	shalt  }
0x82: {  	_ =	shalt  }
0x83: {  	_ =	shalt  }
0x84: {  	_ =	shalt  }
0x85: {  	_ =	shalt  }
0x86: {  	_ =	shalt  }
0x87: {  	_ =	shalt  }
.Lfunc_end0:
.L_simem_size_0:
called_computation.1_lowered:
.L_overlay_start_0:
0x88: {  	s2 =	sld [smem:$0x3FD9]  }
0x89: {  	s3 =	sld [smem:$0x3FFE];
	_ =	sdelay $0x1  }
0x8a: {  	s1 =	srdreg.scid  }
0x8b: {  	s0 =	sand.u32 $0x1, s1  }
0x8c: {  	s17 =	sshll.u32 s0, $0xA;
	s2 =	sadd.s32 s3, s2  }
0x8d: {  	s2 =	sadd.s32 s2, s17  }
0x8e: {  	[smem:$0x3FBE] =	sst s2  }
0x8f: {  	_ = 	snop  }
0x90: {  	s2 =	sld [smem:$0x3FC9]  }
0x91: {  	s18 =	sld [smem:$0x3FC8]  }
0x92: {  	s4 =	sld [smem:$0x3FD0];
	(tm) =	ssettm $0x1  }
0x93: {  	s5 =	sld [smem:$0x3FFB];
	_ =	sdelay $0x3  }
0x94: {  	_ =	strace s5  }
0x95: {  	s5 =	sld [smem:$0x3FFC];
	_ =	sdelay $0x3  }
0x96: {  	_ =	strace s5  }
0x97: {  	s5 =	sld [smem:$0x3FFD];
	_ =	sdelay $0x3  }
0x98: {  	_ =	strace s5  }
0x99: {  	_ =	strace $0x8FFFFFFF  }
0x9a: {  	s19 =	sld [smem:$0x3FDB];
	_ =	sdelay $0x1  }
0x9b: {  	s6 =	simm.s32 $_scs_section_size  }
0x9c: {  	s7 =	simm.s32 $_size__tile_overlayer_lowered;
	s8 =	simm.s32 $_tile_overlayer_lowered  }
0x9d: {  	s22 =	simm.s32 $0x1BFF;
	s21 =	sshll.u32 s8, $0x1;
	s5 =	sadd.s32 s6, s19  }
0x9e: {  	s9 =	simm.s32 $0x0;
	s20 =	sshll.u32 s7, $0x1;
	s7 =	sadd.s32 s21, s5  }
0x9f: {  	[timem:s9], [sflag:s22] =	dma.local [hbm:s7], s20  }
0xa0: {  	_ =	swait.ge [sflag:s22], s20  }
0xa1: {  	s6 =	ssub.s32 $0x0, s20;
	[sflag:s22] =	ssyncset.done $0x0  }
0xa2: {  	[sflag:s22] =	ssyncadd.s32 s6;
	_ =	sdelay $0x1  }
0xa3: {  	s23 =	simm.s32 $0x1B8B  }
0xa4: {  	_ =	swait.ge [sflag:s23], $0x1  }
0xa5: {  	[sflag:s23] =	ssyncset.done $0x0  }
0xa6: {  	s25 =	simm.s32 $0x1B8E;
	s24 =	sld [smem:$0x3FFE];
	[sflag:s23] =	ssyncadd.s32 $0xFFFFFFFF  }
0xa7: {  	s26 =	simm.s32 $execute0_lowered;
	[smem:$0x3FD2] =	sst s25  }
0xa8: {  	s7 =	sshll.u32 s26, $0x1;
	_ =	strace $0x80000046;
	[dreg:$0x1] =	wrdreg $0xFFFFFFFF  }
0xa9: {  	s28 =	simm.s32 $_size_execute0_lowered;
	s5 =	sadd.s32 s5, s7;
	[dreg:$0x0] =	wrdreg $0x0  }
0xaa: {  	s7 =	sshll.u32 s28, $0x1;
	[dreg:$0x2] =	wrdreg s5  }
0xab: {  	[dreg:$0x3] =	wrdreg s7  }
0xac: {  	[dreg:$0x4] =	wrdreg $0xC0  }
0xad: {  	_ =	task [dreg:s9], $0x5FFFF  }
0xae: {  	[dreg:$0x1] =	wrdreg $0xFFFFFFFF  }
0xaf: {  	[dreg:$0x0] =	wrdreg $0x60  }
0xb0: {  	[dreg:$0x2] =	wrdreg s4  }
0xb1: {  	[dreg:$0x3] =	wrdreg s2  }
0xb2: {  	[dreg:$0x4] =	wrdreg s18  }
0xb3: {  	[dreg:$0x5] =	wrdreg s24  }
0xb4: {  	[dreg:$0x6] =	wrdreg $0xA  }
0xb5: {  	_ =	task.clear_ibuf [dreg:s9], $0x7FFFF;
	_ =	strace $0x90000046  }
0xb6: {  	s29 =	simm.s32 $0xA;
	_ =	strace $0x80000048  }
0xb7: {  	_ =	swait.ge [sflag:s29], $0x1  }
0xb8: {  	[sflag:s29] =	ssyncadd.s32 $0xFFFFFFFF  }
0xb9: {  	_ =	strace $0x90000048  }
0xba: {  	_ =	sfence  }
0xbb: {  	s30 =	sld [smem:$0x0];
	_ =	sdelay $0x2  }
0xbc: {  	s31 =	sshll.u32 s1, $0xD;
	s1 =	sshrl.u32 s1, $0x2  }
0xbd: {  	s3 =	sand.u32 $0x4000, s31;
	s1 =	sadd.s32 s1, s30  }
0xbe: {  	s0 =	sor.u32 s3, s0;
	s1 =	sshll.u32 s1, $0x11  }
0xbf: {  	s0 =	sor.u32 s1, s0  }
0xc0: {  	s0 =	sadd.s32 $0x8F2B, s0  }
0xc1: {  	[sflag:s0] =	ssyncadd.remote.s32 $0x1  }
0xc2: {  	_ =	sfence.sel $0xFFFF  }
0xc3: {  	[dreg:$0x0] =	wrdreg $0xFFFFFFFF;
	(pc) =	sbr.abs _section_cstart, $3  }
0xc4: {  	[dreg:$0x1] =	wrdreg $0xFFFFFFFF  }
0xc5: {  	_ =	task.clear_ibuf [dreg:s9], $0x2FFFF;
	_ =	strace $0x9FFFFFFF  }
0xc6: {  	(tm) =	ssettm $0x7FFFFFFF  }
0xc7: {  	_ =	shalt  }
tec
execute0_lowered:
.L_overlay_start_1:
0x0: {  	(tag) =	ssettag $0x1  }
0x1: {  	s3 =	rddreg [dreg:$0x0]  }
0x2: {  	s5 =	rddreg [dreg:$0x1];
	s1 =	srdreg.scid  }
0x3: {  	s7 =	rddreg [dreg:$0x2];
	s0 =	stileid.u32;
	s20 =	sand.u32 $0x1, s1  }
0x4: {  	s19 =	rddreg [dreg:$0x3];
	s4 =	sshll.u32 s0, $0xA;
	s6 =	sshll.u32 s20, $0x9  }
0x5: {  	s2 =	simm.s32 $0x0;
	s1 =	rddreg [dreg:$0x4];
	s18 =	sor.u32 s6, s4  }
0x6: {  	[smem:$0x7FF] =	sst s2;
	s8 =	sshrl.u32 s18, $0x3  }
0x7: {  	_ =	strace $0x80000047;
	s4 =	sadd.s32 s3, s8;
	s3 =	simm.s32 $0x2  }
0x8: {  	[tilespmem:s2], [sflag:$0x2] =	stream.linear.gather [hbm4b:s4+s2], $0x200, $0x38;
	[tilespmem:$0xA600] =	vst v63  }
0x9: {  	_ =	swait.ge [sflag:s3], $0x200  }
0xa: {  	[sflag:s3] =	ssyncset.done $0x0  }
0xb: {  	s6 =	simm.s32 $0x200;
	s5 =	sadd.s32 s5, s8;
	[sflag:s3] =	ssyncadd.s32 $0xFFFFFE00  }
0xc: {  	[tilespmem:s6], [sflag:$0x2] =	stream.linear.gather [hbm4b:s5+s2], $0x200, $0x38;
	[tilespmem:$0xA600] =	vst v63  }
0xd: {  	_ =	swait.ge [sflag:s3], $0x200  }
0xe: {  	[sflag:s3] =	ssyncset.done $0x0  }
0xf: {  	s7 =	sadd.s32 s7, s8;
	s8 =	simm.s32 $0x400;
	[sflag:s3] =	ssyncadd.s32 $0xFFFFFE00  }
0x10: {  	[tilespmem:s8], [sflag:$0x2] =	stream.linear.gather [hbm4b:s7+s2], $0x200, $0x38;
	[tilespmem:$0xA600] =	vst v63  }
0x11: {  	_ =	swait.ge [sflag:s3], $0x200  }
0x12: {  	s10 =	simm.s32 $0x600;
	[sflag:s3] =	ssyncset.done $0x0  }
0x13: {  	s11 =	simm.s32 $0x1;
	s9 =	sadd.s32 $0x1039400, s19;
	[sflag:s3] =	ssyncadd.s32 $0xFFFFFE00  }
0x14: {  	[tilespmem:s10], [sflag:$0x1] =	stream.indirect.gather [hbm4b:s9+s6], $0x8, s2, s6, $0xb8;
	[tilespmem:$0xA600] =	vst v63  }
0x15: {  	_ =	swait.ge [sflag:s11], $0x1000  }
0x16: {  	s15 =	sadd.s32 s18, s19;
	[sflag:s11] =	ssyncset.done $0x0  }
0x17: {  	s12 =	sadd.s32 $0x98C200, s15;
	[sflag:s11] =	ssyncadd.s32 $0xFFFFF000  }
0x18: {  	[hbm4b:s12+s2] =	stream.linear.scatter [tilespmem:s10], [sflag:$0x2], $0x1000, $0x38;
	[tilespmem:$0xA600] =	vst v63  }
0x19: {  	_ =	swait.ge [sflag:s3], $0x1000  }
0x1a: {  	[sflag:s3] =	ssyncset.done $0x0  }
0x1b: {  	s14 =	simm.s32 $0x1600;
	s13 =	sadd.s32 $0xF45000, s19;
	[sflag:s3] =	ssyncadd.s32 $0xFFFFF000  }
0x1c: {  	[tilespmem:s14], [sflag:$0x1] =	stream.indirect.gather [hbm4b:s13+s6], $0x8, s2, s6, $0xb8;
	[tilespmem:$0xA600] =	vst v63  }
0x1d: {  	_ =	swait.ge [sflag:s11], $0x1000  }
0x1e: {  	[sflag:s11] =	ssyncset.done $0x0  }
0x1f: {  	s15 =	sadd.s32 $0x990200, s15;
	[sflag:s11] =	ssyncadd.s32 $0xFFFFF000  }
0x20: {  	[hbm4b:s15+s2] =	stream.linear.scatter [tilespmem:s14], [sflag:$0x2], $0x1000, $0x38;
	[tilespmem:$0xA600] =	vst v63  }
0x21: {  	_ =	swait.ge [sflag:s3], $0x1000  }
0x22: {  	[sflag:s3] =	ssyncset.done $0x0  }
0x23: {  	s17 =	simm.s32 $0x2600;
	s16 =	sadd.s32 $0xB12C00, s19;
	[sflag:s3] =	ssyncadd.s32 $0xFFFFF000  }
0x24: {  	[tilespmem:s17], [sflag:$0x1] =	stream.indirect.gather [hbm4b:s16+s6], $0x20, s6, s6, $0xb8;
	[tilespmem:$0xA600] =	vst v63  }
0x25: {  	s18 =	sshll.u32 s18, $0x2;
	_ =	swait.ge [sflag:s11], $0x4000  }
0x26: {  	s21 =	sadd.s32 s18, s19;
	[sflag:s11] =	ssyncset.done $0x0  }
0x27: {  	s22 =	ssub.s32 $0x2, s20;
	s18 =	sadd.s32 $0x9A4200, s21;
	[sflag:s11] =	ssyncadd.s32 $0xFFFFC000  }
0x28: {  	[hbm4b:s18+s2] =	stream.linear.scatter [tilespmem:s17], [sflag:$0x2], $0x4000, $0x38;
	[tilespmem:$0xA600] =	vst v63  }
0x29: {  	s23 =	sshrl.u32 s22, $0x1;
	_ =	swait.ge [sflag:s3], $0x4000  }
0x2a: {  	s20 =	simm.s32 $0x6600;
	s22 =	ssub.s32 s22, s23;
	[sflag:s3] =	ssyncset.done $0x0  }
0x2b: {  	s19 =	sadd.s32 $0x7A3C00, s19;
	s22 =	smax.u32 s22, $0x1;
	[sflag:s3] =	ssyncadd.s32 $0xFFFFC000  }
0x2c: {  	[tilespmem:s20], [sflag:$0x1] =	stream.indirect.gather [hbm4b:s19+s6], $0x20, s8, s6, $0xb8;
	[tilespmem:$0xA600] =	vst v63  }
0x2d: {  	p0 =	sne.s32 s22, $0x1;
	_ =	swait.ge [sflag:s11], $0x4000  }
.Ltmp0:
0x2e: {  	[sflag:s11] =	ssyncset.done $0x0;
	(pc) =	sbr.rel @!p0 .LBB2_2-.Ltmp0, $4  }
0x2f: {  	s21 =	sadd.s32 $0x994200, s21;
	[sflag:s11] =	ssyncadd.s32 $0xFFFFC000  }
0x30: {  	[hbm4b:s21+s2] =	stream.linear.scatter [tilespmem:s20], [sflag:$0x2], $0x4000, $0x38;
	[tilespmem:$0xA600] =	vst v63  }
0x31: {  	_ =	swait.ge [sflag:s3], $0x4000  }
0x32: {  	s22 =	sadd.s32 $0xFFFFFFFF, s22;
	[sflag:s3] =	ssyncset.done $0x0  }
.LBB2_1:
0x33: {  	p0 =	sne.s32 s22, $0x1;
	s22 =	sadd.s32 $0xFFFFFFFF, s22;
	[sflag:s3] =	ssyncadd.s32 $0xFFFFC000  }
0x34: {  	[tilespmem:s2], [sflag:$0x2] =	stream.linear.gather [hbm4b:s4+s2], $0x200, $0x38;
	[tilespmem:$0xA600] =	vst v63  }
0x35: {  	_ =	swait.ge [sflag:s3], $0x200  }
0x36: {  	[sflag:s3] =	ssyncset.done $0x0  }
0x37: {  	[sflag:s3] =	ssyncadd.s32 $0xFFFFFE00  }
0x38: {  	[tilespmem:s6], [sflag:$0x2] =	stream.linear.gather [hbm4b:s5+s2], $0x200, $0x38;
	[tilespmem:$0xA600] =	vst v63  }
0x39: {  	_ =	swait.ge [sflag:s3], $0x200  }
0x3a: {  	[sflag:s3] =	ssyncset.done $0x0  }
0x3b: {  	[sflag:s3] =	ssyncadd.s32 $0xFFFFFE00  }
0x3c: {  	[tilespmem:s8], [sflag:$0x2] =	stream.linear.gather [hbm4b:s7+s2], $0x200, $0x38;
	[tilespmem:$0xA600] =	vst v63  }
0x3d: {  	_ =	swait.ge [sflag:s3], $0x200  }
0x3e: {  	[sflag:s3] =	ssyncset.done $0x0  }
0x3f: {  	[sflag:s3] =	ssyncadd.s32 $0xFFFFFE00  }
0x40: {  	[tilespmem:s10], [sflag:$0x1] =	stream.indirect.gather [hbm4b:s9+s6], $0x8, s2, s6, $0xb8;
	[tilespmem:$0xA600] =	vst v63  }
0x41: {  	_ =	swait.ge [sflag:s11], $0x1000  }
0x42: {  	[sflag:s11] =	ssyncset.done $0x0  }
0x43: {  	[sflag:s11] =	ssyncadd.s32 $0xFFFFF000  }
0x44: {  	[hbm4b:s12+s2] =	stream.linear.scatter [tilespmem:s10], [sflag:$0x2], $0x1000, $0x38;
	[tilespmem:$0xA600] =	vst v63  }
0x45: {  	_ =	swait.ge [sflag:s3], $0x1000  }
0x46: {  	[sflag:s3] =	ssyncset.done $0x0  }
0x47: {  	[sflag:s3] =	ssyncadd.s32 $0xFFFFF000  }
0x48: {  	[tilespmem:s14], [sflag:$0x1] =	stream.indirect.gather [hbm4b:s13+s6], $0x8, s2, s6, $0xb8;
	[tilespmem:$0xA600] =	vst v63  }
0x49: {  	_ =	swait.ge [sflag:s11], $0x1000  }
0x4a: {  	[sflag:s11] =	ssyncset.done $0x0  }
0x4b: {  	[sflag:s11] =	ssyncadd.s32 $0xFFFFF000  }
0x4c: {  	[hbm4b:s15+s2] =	stream.linear.scatter [tilespmem:s14], [sflag:$0x2], $0x1000, $0x38;
	[tilespmem:$0xA600] =	vst v63  }
0x4d: {  	_ =	swait.ge [sflag:s3], $0x1000  }
0x4e: {  	[sflag:s3] =	ssyncset.done $0x0  }
0x4f: {  	[sflag:s3] =	ssyncadd.s32 $0xFFFFF000  }
0x50: {  	[tilespmem:s17], [sflag:$0x1] =	stream.indirect.gather [hbm4b:s16+s6], $0x20, s6, s6, $0xb8;
	[tilespmem:$0xA600] =	vst v63  }
0x51: {  	_ =	swait.ge [sflag:s11], $0x4000  }
0x52: {  	[sflag:s11] =	ssyncset.done $0x0  }
0x53: {  	[sflag:s11] =	ssyncadd.s32 $0xFFFFC000  }
0x54: {  	[hbm4b:s18+s2] =	stream.linear.scatter [tilespmem:s17], [sflag:$0x2], $0x4000, $0x38;
	[tilespmem:$0xA600] =	vst v63  }
0x55: {  	_ =	swait.ge [sflag:s3], $0x4000  }
0x56: {  	[sflag:s3] =	ssyncset.done $0x0  }
0x57: {  	[sflag:s3] =	ssyncadd.s32 $0xFFFFC000  }
0x58: {  	[tilespmem:s20], [sflag:$0x1] =	stream.indirect.gather [hbm4b:s19+s6], $0x20, s8, s6, $0xb8;
	[tilespmem:$0xA600] =	vst v63  }
0x59: {  	_ =	swait.ge [sflag:s11], $0x4000  }
.Ltmp1:
0x5a: {  	[sflag:s11] =	ssyncset.done $0x0;
	(pc) =	sbr.rel @p0 .LBB2_1-.Ltmp1, $4  }
0x5b: {  	[sflag:s11] =	ssyncadd.s32 $0xFFFFC000  }
0x5c: {  	[hbm4b:s21+s2] =	stream.linear.scatter [tilespmem:s20], [sflag:$0x2], $0x4000, $0x38;
	[tilespmem:$0xA600] =	vst v63  }
0x5d: {  	_ =	swait.ge [sflag:s3], $0x4000  }
0x5e: {  	[sflag:s3] =	ssyncset.done $0x0  }
.LBB2_2:
0x5f: {  	[sflag:s3] =	ssyncadd.s32 $0xFFFFC000  }
0x60: {  	_ =	sfence.sel $0x180000  }
0x61: {  	[bflag:$0x0] =	sbarrier.arrive $0xFFFF  }
0x62: {  	p0 =	sne.s32 s0, $0x0;
	_ =	strace $0x90000047  }
0x63: {  	s0 =	sadd.s32 @!p0 $0x100000, s1;
	[bflag:$0x2] =	sbarrier.arrive $0xFFFF  }
0x64: {  	[sflag:s0] =	ssyncadd.tile.s32 @!p0 $0x1;
	_ =	shalt  }
.Lfunc_end2:
_tile_overlayer_lowered:
.L_overlay_start_2:
0x65: {  	(tag) =	ssettag $0x2  }
0x66: {  	s0 =	rddreg [dreg:$0x0];
	s2 =	stileid.u32  }
0x67: {  	s1 =	rddreg [dreg:$0x1];
	p0 =	sne.s32 s2, $0x0  }
0x68: {  	s3 =	rddreg [dreg:$0x2];
	[bflag:$0x3] =	sbarrier.arrive $0xFFFF;
	s2 =	simm.s32 @!p0 $0x1C02  }
0x69: {  	[timem:s3], [sflag:s2] =	dma.local @!p0 [hbm:s0], s1  }
0x6a: {  	s0 =	simm.s32 @!p0 $0x2  }
0x6b: {  	_ =	swait.ge @!p0 [sflag:s0], s1  }
0x6c: {  	s1 =	ssub.s32 @!p0 $0x0, s1;
	[sflag:s0] =	ssyncset.done @!p0 $0x0  }
0x6d: {  	[sflag:s0] =	ssyncadd.s32 @!p0 s1  }
0x6e: {  	[bflag:$0x3] =	sbarrier.arrive $0xFFFF  }
0x6f: {  	_ =	shalt  }

// kernel: kernel.9.cloned.1.call-start
scs
__scs_entry_jumppad:
0x0: {  	(pc) =	sbr.rel $0x88, $3  }
0x1: {  	(tag) =	ssettag $0x0;
	lr =	simm.s32 $0x1  }
0x2: {  	[smem:$0x3F97] =	sst lr;
	_ =	strace $0xD0000000  }
0x3: {  	_ = 	snop  }
0x4: {  	_ = 	snop  }
0x5: {  	_ = 	snop  }
0x6: {  	_ = 	snop  }
0x7: {  	_ = 	snop  }
__scs_overlays_trampoline_lowered:
0x8: {  	[smem:$0x3FA6] =	sst s0  }
0x9: {  	[smem:$0x3FA7] =	sst s1  }
0xa: {  	[smem:$0x3FA8] =	sst s2  }
0xb: {  	[smem:$0x3FA9] =	sst s3  }
0xc: {  	[smem:$0x3FAA] =	sst s4  }
0xd: {  	[smem:$0x3FAB] =	sst s5  }
0xe: {  	[smem:$0x3FAC] =	sst s6  }
0xf: {  	[smem:$0x3FAD] =	sst s7  }
0x10: {  	[smem:$0x3FAE] =	sst s8  }
0x11: {  	[smem:$0x3FAF] =	sst s9;
	s0 =	simm.s32 @!p0 $0x0  }
0x12: {  	s1 =	sld [smem:$0x3F95];
	s0 =	simm.s32 @p0 $0x1  }
0x13: {  	[smem:$0x3FB0] =	sst s0;
	s0 =	simm.s32 @!p1 $0x0  }
0x14: {  	s2 =	sld [smem:$0x3F94];
	s0 =	simm.s32 @p1 $0x1  }
0x15: {  	[smem:$0x3FB1] =	sst s0;
	s0 =	simm.s32 @!p2 $0x0  }
0x16: {  	s3 =	sld [smem:$0x3FDB];
	s0 =	simm.s32 @p2 $0x1  }
0x17: {  	s4 =	simm.s32 $0x1BF5;
	[smem:$0x3FB3] =	sst s0  }
0x18: {  	s0 =	sld [smem:$0x3F96];
	_ =	swait.ge [sflag:s4], $0x0  }
0x19: {  	s7 =	sld [smem:$0x3F97]  }
0x1a: {  	s8 =	sadd.s32 $0xFFFFE003, lr  }
0x1b: {  	s9 =	sadd.s32 $0xFFFFFEF7, lr;
	s5 =	simm.s32 $0xFFFFFFFF;
	p2 =	slt.u32 s8, $0xFFFFF086  }
0x1c: {  	p1 =	slt.u32 s9, $0xF7A;
	s5 =	simm.s32 @!p2 $0x0  }
0x1d: {  	s5 =	simm.s32 @p1 $0x1;
	p0 =	seq.s32 s7, s2  }
0x1e: {  	s7 =	smul.u32 @!p0 $0xF7A, s2;
	p2 =	seq.s32 @!p0 s5, $0x0  }
0x1f: {  	s9 =	smul.u32 $0xF7A, s1;
	s8 =	simm.s32 @!p0 $0x1BF5;
	p2 =	por !p2, p0  }
0x20: {  	[sflag:s8] =	ssyncset.s32 @!p0 $0xFFFFF086;
	s6 =	sadd.s32 @!p0 s3, s7;
	s7 =	simm.s32 @!p0 $0x108  }
0x21: {  	s3 =	sadd.s32 s3, s9;
	s6 =	sadd.s32 @!p0 $0x88, s6;
	s7 =	simm.s32 @p2 $0x1082  }
0x22: {  	[simem:s7], [sflag:s8] =	dma.local @!p0 [hbm:s6], $0xF7A  }
0x23: {  	s9 =	sor.u32 $0xD0000000, s2;
	s6 =	simm.s32 $0x108;
	_ =	swait.ge @!p0 [sflag:s8], $0x0  }
0x24: {  	s3 =	sadd.s32 $0x88, s3;
	s6 =	simm.s32 @!p1 $0x1082;
	[sflag:s4] =	ssyncset.s32 $0xFFFFF086  }
0x25: {  	[simem:s6], [sflag:s4] =	dma.local [hbm:s3], $0xF7A  }
0x26: {  	[smem:$0x3F97] =	sst s1;
	(tag) =	ssettag s2;
	_ =	strace s9  }
0x27: {  	s1 =	sld [smem:$0x3FA7]  }
0x28: {  	s2 =	sld [smem:$0x3FA8]  }
0x29: {  	s4 =	sld [smem:$0x3FAA]  }
0x2a: {  	p0 =	seq.s32 s5, $0x0;
	s5 =	sld [smem:$0x3FAB]  }
0x2b: {  	s6 =	sld [smem:$0x3FAC]  }
0x2c: {  	s7 =	sld [smem:$0x3FAD]  }
0x2d: {  	s3 =	simm.s32 $0x108;
	s8 =	sld [smem:$0x3FAE]  }
0x2e: {  	s3 =	simm.s32 @!p0 $0x1082;
	s9 =	sld [smem:$0x3FAF]  }
0x2f: {  	lr =	sadd.s32 s0, s3;
	s0 =	sld [smem:$0x3FA6]  }
0x30: {  	s3 =	sld [smem:$0x3FA9]  }
0x31: {  	[smem:$0x3FB2] =	sst s10  }
0x32: {  	s10 =	sld [smem:$0x3FB0];
	_ =	sdelay $0x3  }
0x33: {  	p0 =	seq.s32 s10, $0x1;
	s10 =	sld [smem:$0x3FB2];
	_ =	sdelay $0x3  }
0x34: {  	[smem:$0x3FB2] =	sst s10  }
0x35: {  	s10 =	sld [smem:$0x3FB1];
	_ =	sdelay $0x3  }
0x36: {  	p1 =	seq.s32 s10, $0x1;
	s10 =	sld [smem:$0x3FB2];
	_ =	sdelay $0x3  }
0x37: {  	[smem:$0x3FB2] =	sst s10  }
0x38: {  	s10 =	sld [smem:$0x3FB3]  }
0x39: {  	_ = 	snop;
	(pc) =	sbr.ind lr, $3  }
0x3a: {  	_ = 	snop  }
0x3b: {  	_ = 	snop  }
0x3c: {  	p2 =	seq.s32 s10, $0x1;
	s10 =	sld [smem:$0x3FB2]  }
0x3d: {  	_ =	shalt  }
0x3e: {  	_ =	shalt  }
0x3f: {  	_ =	shalt  }
0x40: {  	_ =	shalt  }
0x41: {  	_ =	shalt  }
0x42: {  	_ =	shalt  }
0x43: {  	_ =	shalt  }
0x44: {  	_ =	shalt  }
0x45: {  	_ =	shalt  }
0x46: {  	_ =	shalt  }
0x47: {  	_ =	shalt  }
0x48: {  	_ =	shalt  }
0x49: {  	_ =	shalt  }
0x4a: {  	_ =	shalt  }
0x4b: {  	_ =	shalt  }
0x4c: {  	_ =	shalt  }
0x4d: {  	_ =	shalt  }
0x4e: {  	_ =	shalt  }
0x4f: {  	_ =	shalt  }
0x50: {  	_ =	shalt  }
0x51: {  	_ =	shalt  }
0x52: {  	_ =	shalt  }
0x53: {  	_ =	shalt  }
0x54: {  	_ =	shalt  }
0x55: {  	_ =	shalt  }
0x56: {  	_ =	shalt  }
0x57: {  	_ =	shalt  }
0x58: {  	_ =	shalt  }
0x59: {  	_ =	shalt  }
0x5a: {  	_ =	shalt  }
0x5b: {  	_ =	shalt  }
0x5c: {  	_ =	shalt  }
0x5d: {  	_ =	shalt  }
0x5e: {  	_ =	shalt  }
0x5f: {  	_ =	shalt  }
0x60: {  	_ =	shalt  }
0x61: {  	_ =	shalt  }
0x62: {  	_ =	shalt  }
0x63: {  	_ =	shalt  }
0x64: {  	_ =	shalt  }
0x65: {  	_ =	shalt  }
0x66: {  	_ =	shalt  }
0x67: {  	_ =	shalt  }
0x68: {  	_ =	shalt  }
0x69: {  	_ =	shalt  }
0x6a: {  	_ =	shalt  }
0x6b: {  	_ =	shalt  }
0x6c: {  	_ =	shalt  }
0x6d: {  	_ =	shalt  }
0x6e: {  	_ =	shalt  }
0x6f: {  	_ =	shalt  }
0x70: {  	_ =	shalt  }
0x71: {  	_ =	shalt  }
0x72: {  	_ =	shalt  }
0x73: {  	_ =	shalt  }
0x74: {  	_ =	shalt  }
0x75: {  	_ =	shalt  }
0x76: {  	_ =	shalt  }
0x77: {  	_ =	shalt  }
0x78: {  	_ =	shalt  }
0x79: {  	_ =	shalt  }
0x7a: {  	_ =	shalt  }
0x7b: {  	_ =	shalt  }
0x7c: {  	_ =	shalt  }
0x7d: {  	_ =	shalt  }
0x7e: {  	_ =	shalt  }
0x7f: {  	_ =	shalt  }
0x80: {  	_ =	shalt  }
0x81: {  	_ =	shalt  }
0x82: {  	_ =	shalt  }
0x83: {  	_ =	shalt  }
0x84: {  	_ =	shalt  }
0x85: {  	_ =	shalt  }
0x86: {  	_ =	shalt  }
0x87: {  	_ =	shalt  }
.Lfunc_end0:
.L_simem_size_0:
called_computation.2_lowered:
.L_overlay_start_0:
0x88: {  	s2 =	sld [smem:$0x3FD9]  }
0x89: {  	s3 =	sld [smem:$0x3FFE];
	_ =	sdelay $0x1  }
0x8a: {  	s1 =	srdreg.scid  }
0x8b: {  	s0 =	sand.u32 $0x1, s1  }
0x8c: {  	s17 =	sshll.u32 s0, $0xA;
	s2 =	sadd.s32 s3, s2  }
0x8d: {  	s2 =	sadd.s32 s2, s17  }
0x8e: {  	[smem:$0x3FBE] =	sst s2  }
0x8f: {  	_ = 	snop  }
0x90: {  	(tm) =	ssettm $0x1  }
0x91: {  	s18 =	sld [smem:$0x3FFB];
	_ =	sdelay $0x3  }
0x92: {  	_ =	strace s18  }
0x93: {  	s2 =	sld [smem:$0x3FFC];
	_ =	sdelay $0x3  }
0x94: {  	_ =	strace s2  }
0x95: {  	s2 =	sld [smem:$0x3FFD];
	_ =	sdelay $0x3  }
0x96: {  	_ =	strace s2  }
0x97: {  	_ =	strace $0x8FFFFFFF  }
0x98: {  	s19 =	sld [smem:$0x3FDB];
	_ =	sdelay $0x1  }
0x99: {  	s20 =	simm.s32 $_scs_section_size  }
0x9a: {  	s4 =	simm.s32 $_size__tile_overlayer_lowered;
	s5 =	simm.s32 $_tile_overlayer_lowered  }
0x9b: {  	s6 =	simm.s32 $0x1BFF;
	s21 =	sshll.u32 s5, $0x1;
	s3 =	sadd.s32 s20, s19  }
0x9c: {  	s22 =	simm.s32 $0x0;
	s4 =	sshll.u32 s4, $0x1;
	s5 =	sadd.s32 s21, s3  }
0x9d: {  	[timem:s22], [sflag:s6] =	dma.local [hbm:s5], s4  }
0x9e: {  	_ =	swait.ge [sflag:s6], s4  }
0x9f: {  	s4 =	ssub.s32 $0x0, s4;
	[sflag:s6] =	ssyncset.done $0x0  }
0xa0: {  	[sflag:s6] =	ssyncadd.s32 s4;
	_ =	sdelay $0x1  }
0xa1: {  	s23 =	simm.s32 $0x1B8B  }
0xa2: {  	_ =	swait.ge [sflag:s23], $0x1  }
0xa3: {  	[sflag:s23] =	ssyncset.done $0x0  }
0xa4: {  	[sflag:s23] =	ssyncadd.s32 $0xFFFFFFFF  }
0xa5: {  	s4 =	sld [smem:$0x0]  }
0xa6: {  	s5 =	sand.u32 $0xFFFFFFFE, s1  }
0xa7: {  	p0 =	sne.s32 s1, s5  }
0xa8: {  	s5 =	sshll.u32 @p0 s5, $0xE  }
0xa9: {  	s5 =	sadd.s32 @p0 $0x11B8D, s5;
	s6 =	sshll.u32 @p0 s4, $0x11  }
0xaa: {  	s5 =	sor.u32 @p0 s6, s5  }
0xab: {  	[sflag:s5] =	ssyncadd.remote.s32 @p0 $0x1;
	_ =	sdelay $0x1  }
0xac: {  	s5 =	simm.s32 @p0 $0x1B8D  }
0xad: {  	_ =	swait.eq @p0 [sflag:s5], $0x1  }
0xae: {  	[sflag:s5] =	ssyncadd.s32 @p0 $0xFFFFFFFF  }
0xaf: {  	s6 =	sshll.u32 @!p0 s1, $0xE  }
0xb0: {  	s6 =	sor.u32 @!p0 $0x4000, s6;
	s5 =	simm.s32 @!p0 $0x1B8D  }
0xb1: {  	s4 =	sshll.u32 @!p0 s4, $0x11;
	s6 =	sadd.s32 @!p0 $0x11B8D, s6;
	_ =	swait.eq @!p0 [sflag:s5], $0x1  }
0xb2: {  	s4 =	sor.u32 @!p0 s4, s6;
	[sflag:s5] =	ssyncadd.s32 @!p0 $0xFFFFFFFF  }
0xb3: {  	s25 =	simm.s32 $0x1B8E;
	s24 =	sld [smem:$0x3FFE];
	[sflag:s4] =	ssyncadd.remote.s32 @!p0 $0x1  }
0xb4: {  	s26 =	simm.s32 $execute0_lowered;
	[smem:$0x3FD2] =	sst s25  }
0xb5: {  	s5 =	sshll.u32 s26, $0x1;
	_ =	strace $0x8000004C;
	[dreg:$0x1] =	wrdreg $0xFFFFFFFF  }
0xb6: {  	s28 =	simm.s32 $_size_execute0_lowered;
	s3 =	sadd.s32 s3, s5;
	[dreg:$0x0] =	wrdreg $0x0  }
0xb7: {  	s5 =	sshll.u32 s28, $0x1;
	[dreg:$0x2] =	wrdreg s3  }
0xb8: {  	[dreg:$0x3] =	wrdreg s5  }
0xb9: {  	[dreg:$0x4] =	wrdreg $0xC0  }
0xba: {  	_ =	task [dreg:s22], $0x5FFFF  }
0xbb: {  	[dreg:$0x1] =	wrdreg $0xFFFFFFFF  }
0xbc: {  	[dreg:$0x0] =	wrdreg $0x60  }
0xbd: {  	[dreg:$0x2] =	wrdreg s24  }
0xbe: {  	[dreg:$0x3] =	wrdreg $0xA  }
0xbf: {  	_ =	task.clear_ibuf [dreg:s22], $0x4FFFF;
	_ =	strace $0x9000004C  }
0xc0: {  	s29 =	simm.s32 $0xA;
	_ =	strace $0x8000004E  }
0xc1: {  	_ =	swait.ge [sflag:s29], $0x1  }
0xc2: {  	[sflag:s29] =	ssyncadd.s32 $0xFFFFFFFF  }
0xc3: {  	_ =	strace $0x9000004E  }
0xc4: {  	_ =	sfence  }
0xc5: {  	s30 =	sld [smem:$0x0];
	_ =	sdelay $0x2  }
0xc6: {  	s31 =	sshll.u32 s1, $0xD;
	s1 =	sshrl.u32 s1, $0x2  }
0xc7: {  	s4 =	sand.u32 $0x4000, s31;
	s1 =	sadd.s32 s1, s30  }
0xc8: {  	s0 =	sor.u32 s4, s0;
	s1 =	sshll.u32 s1, $0x11  }
0xc9: {  	s0 =	sor.u32 s1, s0  }
0xca: {  	s0 =	sadd.s32 $0x8F2B, s0  }
0xcb: {  	[sflag:s0] =	ssyncadd.remote.s32 $0x1  }
0xcc: {  	_ =	sfence.sel $0xFFFF  }
0xcd: {  	[dreg:$0x0] =	wrdreg $0xFFFFFFFF;
	(pc) =	sbr.abs _section_cstart, $3  }
0xce: {  	[dreg:$0x1] =	wrdreg $0xFFFFFFFF  }
0xcf: {  	_ =	task.clear_ibuf [dreg:s22], $0x2FFFF;
	_ =	strace $0x9FFFFFFF  }
0xd0: {  	(tm) =	ssettm $0x7FFFFFFF  }
0xd1: {  	_ =	shalt  }
tec
execute0_lowered:
.L_overlay_start_1:
0x0: {  	(tag) =	ssettag $0x1  }
0x1: {  	s1 =	srdreg.scid;
	s0 =	stileid.u32  }
0x2: {  	s7 =	rddreg [dreg:$0x0];
	s2 =	simm.s32 $0x0;
	s13 =	simm.s32 $0x1  }
0x3: {  	s14 =	simm.s32 $0x2400;
	s15 =	simm.s32 $0x4400;
	s16 =	simm.s32 $0x0  }
0x4: {  	s6 =	sand.u32 $0x1, s1;
	s3 =	sshll.u32 s0, $0xD;
	s1 =	rddreg [dreg:$0x1]  }
0x5: {  	[smem:$0x7FF] =	sst s2;
	s5 =	sadd.s32 $0x1EB000, s7;
	s10 =	sshll.u32 s0, $0xF  }
0x6: {  	s4 =	sshll.u32 s6, $0xC;
	_ =	strace $0x8000004D;
	s10 =	sadd.s32 s10, s7  }
0x7: {  	s11 =	ssub.s32 $0x2, s6;
	s6 =	sshll.u32 s6, $0xE;
	s8 =	sor.u32 s4, s3  }
0x8: {  	s4 =	sadd.s32 $0xF45000, s7;
	s30 =	sshrl.u32 s11, $0x1;
	s6 =	sadd.s32 s6, s10  }
0x9: {  	s3 =	sshrl.u32 s8, $0x3;
	s12 =	sadd.s32 s8, s7;
	s31 =	ssub.s32 s11, s30  }
0xa: {  	s6 =	sadd.s32 $0x5BBA00, s6;
	s9 =	sadd.s32 s3, s7;
	s3 =	sadd.s32 $0x1039400, s7  }
0xb: {  	s11 =	simm.s32 $0x2;
	s10 =	sadd.s32 $0x63BA00, s12;
	s7 =	sadd.s32 $0x98C200, s9  }
0xc: {  	s8 =	smax.u32 s31, $0x1;
	s9 =	sadd.s32 $0x65BA00, s12;
	s12 =	simm.s32 $0x400  }
.LBB2_1:
0xd: {  	[tilespmem:s2], [sflag:$0x2] =	stream.linear.gather [hbm4b:s7+s2], $0x400, $0x38;
	[tilespmem:$0xC400] =	vst v63  }
0xe: {  	_ =	swait.ge [sflag:s11], $0x400  }
0xf: {  	[sflag:s11] =	ssyncset.done $0x0  }
0x10: {  	[sflag:s11] =	ssyncadd.s32 $0xFFFFFC00  }
0x11: {  	[tilespmem:s12], [sflag:$0x1] =	stream.indirect.gather [hbm4b:s3+s12], $0x8, s2, s12, $0xb8;
	[tilespmem:$0xC400] =	vst v63  }
0x12: {  	_ =	swait.ge [sflag:s13], $0x2000  }
0x13: {  	[sflag:s13] =	ssyncset.done $0x0  }
0x14: {  	s17 =	sadd.s32 $0x0, s9;
	[sflag:s13] =	ssyncadd.s32 $0xFFFFE000  }
0x15: {  	[hbm4b:s17+s2] =	stream.linear.scatter [tilespmem:s12], [sflag:$0x2], $0x2000, $0x38;
	[tilespmem:$0xC400] =	vst v63  }
0x16: {  	_ =	swait.ge [sflag:s11], $0x2000  }
0x17: {  	[sflag:s11] =	ssyncset.done $0x0  }
0x18: {  	[sflag:s11] =	ssyncadd.s32 $0xFFFFE000  }
0x19: {  	[tilespmem:s14], [sflag:$0x1] =	stream.indirect.gather [hbm4b:s4+s12], $0x8, s2, s12, $0xb8;
	[tilespmem:$0xC400] =	vst v63  }
0x1a: {  	_ =	swait.ge [sflag:s13], $0x2000  }
0x1b: {  	[sflag:s13] =	ssyncset.done $0x0  }
0x1c: {  	s31 =	sadd.s32 $0x0, s10;
	[sflag:s13] =	ssyncadd.s32 $0xFFFFE000  }
0x1d: {  	[hbm4b:s31+s2] =	stream.linear.scatter [tilespmem:s14], [sflag:$0x2], $0x2000, $0x38;
	[tilespmem:$0xC400] =	vst v63  }
0x1e: {  	_ =	swait.ge [sflag:s11], $0x2000  }
0x1f: {  	[sflag:s11] =	ssyncset.done $0x0  }
0x20: {  	[sflag:s11] =	ssyncadd.s32 $0xFFFFE000  }
0x21: {  	[tilespmem:s15], [sflag:$0x1] =	stream.indirect.gather [hbm4b:s5+s12], $0x20, s2, s12, $0xb8;
	[tilespmem:$0xC400] =	vst v63  }
0x22: {  	_ =	swait.ge [sflag:s13], $0x8000  }
0x23: {  	[sflag:s13] =	ssyncset.done $0x0  }
0x24: {  	[sflag:s13] =	ssyncadd.s32 $0xFFFF8000  }
0x25: {  	[hbm4b:s6+s2] =	stream.linear.scatter [tilespmem:s15], [sflag:$0x2], $0x8000, $0x38;
	[tilespmem:$0xC400] =	vst v63  }
0x26: {  	s18 =	smov.u32 s6;
	_ =	swait.ge [sflag:s11], $0x8000  }
0x27: {  	s19 =	smov.u32 s7;
	s17 =	simm.s32 $0x400;
	[sflag:s11] =	ssyncset.done $0x0  }
.LBB2_2:
0x28: {  	[sflag:s11] =	ssyncadd.s32 $0xFFFF8000  }
0x29: {  	s18 =	sadd.s32 $0x1000, s18;
	s19 =	sadd.s32 $0x80, s19;
	s20 =	smov.u32 s17  }
0x2a: {  	[tilespmem:s2], [sflag:$0x2] =	stream.linear.gather [hbm4b:s19+s2], $0x400, $0x38;
	[tilespmem:$0xC400] =	vst v63  }
0x2b: {  	p0 =	sne.s32 s17, $0xC00;
	s17 =	sadd.s32 $0x400, s17;
	_ =	swait.ge [sflag:s11], $0x400  }
0x2c: {  	[sflag:s11] =	ssyncset.done $0x0  }
0x2d: {  	[sflag:s11] =	ssyncadd.s32 $0xFFFFFC00  }
0x2e: {  	[tilespmem:s12], [sflag:$0x1] =	stream.indirect.gather [hbm4b:s3+s12], $0x8, s2, s12, $0xb8;
	[tilespmem:$0xC400] =	vst v63  }
0x2f: {  	_ =	swait.ge [sflag:s13], $0x2000  }
0x30: {  	[sflag:s13] =	ssyncset.done $0x0  }
0x31: {  	s21 =	sadd.s32 s20, s9;
	[sflag:s13] =	ssyncadd.s32 $0xFFFFE000  }
0x32: {  	[hbm4b:s21+s2] =	stream.linear.scatter [tilespmem:s12], [sflag:$0x2], $0x2000, $0x38;
	[tilespmem:$0xC400] =	vst v63  }
0x33: {  	_ =	swait.ge [sflag:s11], $0x2000  }
0x34: {  	[sflag:s11] =	ssyncset.done $0x0  }
0x35: {  	[sflag:s11] =	ssyncadd.s32 $0xFFFFE000  }
0x36: {  	[tilespmem:s14], [sflag:$0x1] =	stream.indirect.gather [hbm4b:s4+s12], $0x8, s2, s12, $0xb8;
	[tilespmem:$0xC400] =	vst v63  }
0x37: {  	_ =	swait.ge [sflag:s13], $0x2000  }
0x38: {  	[sflag:s13] =	ssyncset.done $0x0  }
0x39: {  	s20 =	sadd.s32 s20, s10;
	[sflag:s13] =	ssyncadd.s32 $0xFFFFE000  }
0x3a: {  	[hbm4b:s20+s2] =	stream.linear.scatter [tilespmem:s14], [sflag:$0x2], $0x2000, $0x38;
	[tilespmem:$0xC400] =	vst v63  }
0x3b: {  	_ =	swait.ge [sflag:s11], $0x2000  }
0x3c: {  	[sflag:s11] =	ssyncset.done $0x0  }
0x3d: {  	[sflag:s11] =	ssyncadd.s32 $0xFFFFE000  }
0x3e: {  	[tilespmem:s15], [sflag:$0x1] =	stream.indirect.gather [hbm4b:s5+s12], $0x20, s2, s12, $0xb8;
	[tilespmem:$0xC400] =	vst v63  }
0x3f: {  	_ =	swait.ge [sflag:s13], $0x8000  }
.Ltmp0:
0x40: {  	[sflag:s13] =	ssyncset.done $0x0;
	(pc) =	sbr.rel @p0 .LBB2_2-.Ltmp0, $4  }
0x41: {  	[sflag:s13] =	ssyncadd.s32 $0xFFFF8000  }
0x42: {  	[hbm4b:s18+s2] =	stream.linear.scatter [tilespmem:s15], [sflag:$0x2], $0x8000, $0x38;
	[tilespmem:$0xC400] =	vst v63  }
0x43: {  	_ =	swait.ge [sflag:s11], $0x8000  }
0x44: {  	[sflag:s11] =	ssyncset.done $0x0  }
0x45: {  	s16 =	sadd.s32 $0x1, s16  }
0x46: {  	p0 =	sne.s32 s16, s8  }
.Ltmp1:
0x47: {  	_ = 	snop;
	(pc) =	sbr.rel @p0 .LBB2_1-.Ltmp1, $2  }
0x48: {  	_ =	sdelay $0x2  }
0x49: {  	[sflag:s11] =	ssyncadd.s32 $0xFFFF8000  }
0x4a: {  	_ =	sfence.sel $0x180000  }
0x4b: {  	[bflag:$0x0] =	sbarrier.arrive $0xFFFF  }
0x4c: {  	p0 =	sne.s32 s0, $0x0;
	_ =	strace $0x9000004D  }
0x4d: {  	s0 =	sadd.s32 @!p0 $0x100000, s1;
	[bflag:$0x2] =	sbarrier.arrive $0xFFFF  }
0x4e: {  	[sflag:s0] =	ssyncadd.tile.s32 @!p0 $0x1;
	_ =	shalt  }
.Lfunc_end2:
_tile_overlayer_lowered:
.L_overlay_start_2:
0x4f: {  	(tag) =	ssettag $0x2  }
0x50: {  	s0 =	rddreg [dreg:$0x0];
	s2 =	stileid.u32  }
0x51: {  	s1 =	rddreg [dreg:$0x1];
	p0 =	sne.s32 s2, $0x0  }
0x52: {  	s3 =	rddreg [dreg:$0x2];
	[bflag:$0x3] =	sbarrier.arrive $0xFFFF;
	s2 =	simm.s32 @!p0 $0x1C02  }
0x53: {  	[timem:s3], [sflag:s2] =	dma.local @!p0 [hbm:s0], s1  }
0x54: {  	s0 =	simm.s32 @!p0 $0x2  }
0x55: {  	_ =	swait.ge @!p0 [sflag:s0], s1  }
0x56: {  	s1 =	ssub.s32 @!p0 $0x0, s1;
	[sflag:s0] =	ssyncset.done @!p0 $0x0  }
0x57: {  	[sflag:s0] =	ssyncadd.s32 @!p0 s1  }
0x58: {  	[bflag:$0x3] =	sbarrier.arrive $0xFFFF  }
0x59: {  	_ =	shalt  }

// kernel: sparse-core-data-format-call.cloned.1.call-start
scs
called_computation_lowered:
.L_overlay_start_0:
0x0: {  	s2 =	sld [smem:$0x3FD9]  }
0x1: {  	s3 =	sld [smem:$0x3FFE];
	_ =	sdelay $0x1  }
0x2: {  	s1 =	srdreg.scid  }
0x3: {  	s0 =	sand.u32 $0x1, s1  }
0x4: {  	s18 =	sshll.u32 s0, $0xA;
	s2 =	sadd.s32 s3, s2  }
0x5: {  	s2 =	sadd.s32 s2, s18  }
0x6: {  	[smem:$0x3FBE] =	sst s2  }
0x7: {  	_ = 	snop  }
0x8: {  	(tm) =	ssettm $0x1  }
0x9: {  	s19 =	sld [smem:$0x3FFB];
	_ =	sdelay $0x3  }
0xa: {  	_ =	strace s19  }
0xb: {  	s2 =	sld [smem:$0x3FFC];
	_ =	sdelay $0x3  }
0xc: {  	_ =	strace s2  }
0xd: {  	s2 =	sld [smem:$0x3FFD];
	_ =	sdelay $0x3  }
0xe: {  	_ =	strace s2  }
0xf: {  	_ =	strace $0x8FFFFFFF  }
0x10: {  	s20 =	sld [smem:$0x3FDB];
	_ =	sdelay $0x1  }
0x11: {  	s21 =	simm.s32 $_scs_section_size  }
0x12: {  	s4 =	simm.s32 $_size__tile_overlayer_lowered;
	s5 =	simm.s32 $_tile_overlayer_lowered  }
0x13: {  	s6 =	simm.s32 $0x1BFF;
	s22 =	sshll.u32 s5, $0x1;
	s3 =	sadd.s32 s21, s20  }
0x14: {  	s23 =	simm.s32 $0x0;
	s4 =	sshll.u32 s4, $0x1;
	s5 =	sadd.s32 s22, s3  }
0x15: {  	[timem:s23], [sflag:s6] =	dma.local [hbm:s5], s4  }
0x16: {  	_ =	swait.ge [sflag:s6], s4  }
0x17: {  	s4 =	ssub.s32 $0x0, s4;
	[sflag:s6] =	ssyncset.done $0x0  }
0x18: {  	[sflag:s6] =	ssyncadd.s32 s4;
	_ =	sdelay $0x1  }
0x19: {  	s24 =	simm.s32 $0x1B8B  }
0x1a: {  	_ =	swait.ge [sflag:s24], $0x1  }
0x1b: {  	[sflag:s24] =	ssyncset.done $0x0  }
0x1c: {  	[sflag:s24] =	ssyncadd.s32 $0xFFFFFFFF  }
0x1d: {  	s4 =	sld [smem:$0x0]  }
0x1e: {  	s5 =	sand.u32 $0xFFFFFFFE, s1  }
0x1f: {  	p0 =	sne.s32 s1, s5  }
0x20: {  	s5 =	sshll.u32 @p0 s5, $0xE  }
0x21: {  	s5 =	sadd.s32 @p0 $0x11B8D, s5;
	s6 =	sshll.u32 @p0 s4, $0x11  }
0x22: {  	s5 =	sor.u32 @p0 s6, s5  }
0x23: {  	[sflag:s5] =	ssyncadd.remote.s32 @p0 $0x1;
	_ =	sdelay $0x1  }
0x24: {  	s5 =	simm.s32 @p0 $0x1B8D  }
0x25: {  	_ =	swait.eq @p0 [sflag:s5], $0x1  }
0x26: {  	[sflag:s5] =	ssyncadd.s32 @p0 $0xFFFFFFFF  }
0x27: {  	s6 =	sshll.u32 @!p0 s1, $0xE  }
0x28: {  	s6 =	sor.u32 @!p0 $0x4000, s6;
	s5 =	simm.s32 @!p0 $0x1B8D  }
0x29: {  	s4 =	sshll.u32 @!p0 s4, $0x11;
	s6 =	sadd.s32 @!p0 $0x11B8D, s6;
	_ =	swait.eq @!p0 [sflag:s5], $0x1  }
0x2a: {  	s4 =	sor.u32 @!p0 s4, s6;
	[sflag:s5] =	ssyncadd.s32 @!p0 $0xFFFFFFFF  }
0x2b: {  	s26 =	simm.s32 $0x1B8E;
	s25 =	sld [smem:$0x3FFE];
	[sflag:s4] =	ssyncadd.remote.s32 @!p0 $0x1  }
0x2c: {  	s27 =	simm.s32 $execute0_lowered;
	[smem:$0x3FD2] =	sst s26  }
0x2d: {  	s5 =	sshll.u32 s27, $0x1;
	_ =	strace $0x80000049;
	[dreg:$0x1] =	wrdreg $0xFFFFFFFF  }
0x2e: {  	s28 =	simm.s32 $_size_execute0_lowered;
	s3 =	sadd.s32 s3, s5;
	[dreg:$0x0] =	wrdreg $0x0  }
0x2f: {  	s5 =	sshll.u32 s28, $0x1;
	[dreg:$0x2] =	wrdreg s3  }
0x30: {  	[dreg:$0x3] =	wrdreg s5  }
0x31: {  	[dreg:$0x4] =	wrdreg $0xC0  }
0x32: {  	_ =	task [dreg:s23], $0x5FFFF  }
0x33: {  	[dreg:$0x1] =	wrdreg $0xFFFFFFFF  }
0x34: {  	[dreg:$0x0] =	wrdreg $0x60  }
0x35: {  	[dreg:$0x2] =	wrdreg s25  }
0x36: {  	[dreg:$0x3] =	wrdreg $0x9  }
0x37: {  	_ =	task.clear_ibuf [dreg:s23], $0x4FFFF;
	_ =	strace $0x90000049  }
0x38: {  	s29 =	simm.s32 $0x9;
	_ =	strace $0x8000004B  }
0x39: {  	_ =	swait.ge [sflag:s29], $0x1  }
0x3a: {  	[sflag:s29] =	ssyncadd.s32 $0xFFFFFFFF  }
0x3b: {  	_ =	strace $0x9000004B  }
0x3c: {  	_ =	sfence  }
0x3d: {  	s30 =	sld [smem:$0x0];
	_ =	sdelay $0x2  }
0x3e: {  	s31 =	sshll.u32 s1, $0xD;
	s1 =	sshrl.u32 s1, $0x2  }
0x3f: {  	s4 =	sand.u32 $0x4000, s31;
	s1 =	sadd.s32 s1, s30  }
0x40: {  	s0 =	sor.u32 s4, s0;
	s1 =	sshll.u32 s1, $0x11  }
0x41: {  	s0 =	sor.u32 s1, s0  }
0x42: {  	s0 =	sadd.s32 $0x8F2B, s0  }
0x43: {  	[sflag:s0] =	ssyncadd.remote.s32 $0x1  }
0x44: {  	_ =	sfence.sel $0xFFFF  }
0x45: {  	[dreg:$0x0] =	wrdreg $0xFFFFFFFF;
	(pc) =	sbr.abs _section_cstart, $3  }
0x46: {  	[dreg:$0x1] =	wrdreg $0xFFFFFFFF  }
0x47: {  	_ =	task.clear_ibuf [dreg:s23], $0x2FFFF;
	_ =	strace $0x9FFFFFFF  }
0x48: {  	(tm) =	ssettm $0x7FFFFFFF  }
0x49: {  	_ =	shalt  }
tec
execute0_lowered:
.L_overlay_start_1:
0x0: {  	(tag) =	ssettag $0x1  }
0x1: {  	s0 =	srdreg.scid  }
0x2: {  	s5 =	rddreg [dreg:$0x0];
	s1 =	stileid.u32;
	s4 =	simm.s32 $0x1  }
0x3: {  	s6 =	simm.s32 $0x2;
	s15 =	simm.s32 $0x0;
	p0 =	por $0x0, $0x0  }
0x4: {  	s8 =	simm.s32 $0x80;
	s14 =	simm.s32 $0x0;
	s2 =	sshll.u32 s0, $0x4  }
0x5: {  	s9 =	simm.s32 $0x0;
	s10 =	simm.s32 $0x0;
	s2 =	sand.u32 $0x10, s2  }
.Ltmp0:
0x6: {  	s12 =	simm.s32 $0x0;
	s3 =	sor.u32 s1, s2;
	(pc) =	sbr.rel .LBB1_1-.Ltmp0, $4  }
0x7: {  	s0 =	rddreg [dreg:$0x1];
	_ =	strace $0x8000004A;
	s3 =	sshll.u32 s3, $0x7  }
0x8: {  	s13 =	simm.s32 $0x0;
	[sflag:s4] =	ssyncpa.u1 $0x0;
	s7 =	ssub.s32 $0xF4200, s3  }
0x9: {  	s2 =	sadd.s32 $0x2A00, s5;
	[sflag:s6] =	ssyncpa.u1 $0x0;
	s6 =	sshrl.u32 s7, $0xC  }
0xa: {  	s5 =	sadd.s32 $0x112D800, s5;
	s11 =	smov.u32 s3;
	s7 =	sadd.s32 $0x2, s6  }
.LBB1_5:
0xb: {  	p1 =	slt.u32 s13, $0x2  }
0xc: {  	s17 =	smov.u32 s15;
	p2 =	sgt.s32 @!p1 s15, $0xF41C8;
	s16 =	sshra.s32 @!p1 s15, $0x1F  }
0xd: {  	p3 =	sgt.s32 @!p1 s14, $0x70;
	s18 =	sshra.s32 @!p1 s14, $0x1F;
	p2 =	por !p2, p1  }
0xe: {  	s15 =	sand.u32 @!p1 s16, s15;
	p3 =	por !p3, p1;
	s16 =	smov.u32 s14  }
0xf: {  	s14 =	sand.u32 @!p1 s18, s14;
	s17 =	simm.s32 @p2 $0xF41C8;
	s16 =	simm.s32 @p3 $0x70  }
0x10: {  	s15 =	ssub.s32 @!p1 s17, s15;
	s14 =	ssub.s32 @!p1 s16, s14  }
0x11: {  	s18 =	smov.u32 s12;
	s16 =	sadd.s32 @!p1 $0xFFF0BE38, s15;
	s17 =	sadd.s32 @!p1 $0xFFFFFF90, s14  }
0x12: {  	s15 =	ssub.s32 @!p1 $0xF4248, s15;
	p2 =	sgt.s32 @!p1 s16, $0x7F;
	p3 =	sgt.s32 @!p1 s17, $0xF  }
0x13: {  	s14 =	ssub.s32 @!p1 $0x80, s14;
	p2 =	por !p2, p1;
	p3 =	por !p3, p1  }
0x14: {  	s16 =	sadd.s32 $0x1000, s11;
	s15 =	simm.s32 @!p2 $0x0;
	s14 =	simm.s32 @!p3 $0x0  }
0x15: {  	p2 =	sgt.s32 s16, $0xF4240;
	s14 =	smul.u32 @!p1 s14, s15;
	s15 =	sadd.s32 $0x10, s12  }
0x16: {  	s18 =	smov.u32 @p2 s15  }
0x17: {  	s16 =	smov.u32 @p2 s3;
	p2 =	sgt.s32 s18, $0xF  }
0x18: {  	s18 =	simm.s32 @p2 $0x0;
	p2 =	sne.s32 s13, s7  }
.Ltmp1:
0x19: {  	p0 =	por !p0, !p0;
	s17 =	simm.s32 @!p1 $0x2;
	(pc) =	sbr.rel @!p2 .LBB1_6-.Ltmp1, $4  }
0x1a: {  	s15 =	smov.u32 s9;
	s9 =	smov.u32 s11;
	s14 =	sand.u32 @!p1 $0x3FFFFFFF, s14  }
0x1b: {  	s11 =	smov.u32 s16;
	_ =	swait.ge @!p1 [sflag:s17], s14;
	s19 =	ssub.s32 @!p1 $0x0, s14  }
0x1c: {  	s14 =	smov.u32 s10;
	s13 =	sadd.s32 $0x1, s13;
	[sflag:s17] =	ssyncset.done @!p1 $0x0  }
0x1d: {  	s10 =	smov.u32 s12;
	s12 =	smov.u32 s18;
	[sflag:s17] =	ssyncadd.s32 @!p1 s19  }
.LBB1_1:
0x1e: {  	p1 =	sgt.u32 s13, s6  }
0x1f: {  	s16 =	sshrl.u32 @!p1 s12, $0x3  }
0x20: {  	s17 =	sshll.u32 @!p1 s11, $0x3;
	s16 =	smul.u32 @!p1 $0x7A1400, s16  }
0x21: {  	s18 =	sshll.u32 @!p1 s12, $0x7;
	s17 =	sand.u32 @!p1 $0xFFFFFC00, s17  }
0x22: {  	s16 =	sadd.s32 @!p1 s16, s17;
	s17 =	sand.u32 @!p1 $0x380, s18  }
0x23: {  	s18 =	sand.u32 @!p1 $0x7F, s11;
	s16 =	sor.u32 @!p1 s17, s16  }
0x24: {  	s17 =	sor.u32 @!p1 s18, s16  }
0x25: {  	s18 =	smulhi.u32 @!p1 $0x218D6287, s17;
	_ =	sdelay $0x1  }
0x26: {  	s16 =	smulhi.u32 @!p1 $0x218D6287, s16;
	s18 =	sshrl.u32 @!p1 s18, $0x11  }
0x27: {  	s18 =	smul.u32 @!p1 $0xF4280, s18  }
0x28: {  	s19 =	sxor.u32 @!p1 $0xFFFFFFFF, s13;
	s16 =	sshrl.u32 @!p1 s16, $0x11  }
0x29: {  	s19 =	sshll.u32 @!p1 s19, $0xB;
	s16 =	sand.u32 @!p1 $0xF, s16;
	s17 =	ssub.s32 @!p1 s17, s18  }
0x2a: {  	s16 =	smul.u32 @!p1 $0x1E850, s16;
	s18 =	sshrl.u32 @!p1 s17, $0x3;
	s17 =	sand.u32 @!p1 $0x7, s17  }
0x2b: {  	s19 =	sand.u32 @!p1 $0x800, s19;
	s18 =	sadd.s32 @!p1 s2, s18;
	s17 =	sshll.u32 @!p1 s17, $0x12  }
0x2c: {  	s16 =	sadd.s32 @!p1 s16, s18;
	s17 =	sor.u32 @!p1 $0x400, s17;
	s18 =	simm.s32 @!p1 $0x7A1400  }
0x2d: {  	[tilespmem:s19], [sflag:$0x1] =	stream.strided.gather @!p1 [hbm4b:s16+s17], $0x800, s18, s17, $0x38;
	[tilespmem:$0x2100] =	vst v63  }
0x2e: {  	p1 =	seq.s32 s13, $0x0  }
0x2f: {  	p2 =	sge.u32 @!p1 s13, s7  }
0x30: {  	p1 =	por p1, p2  }
.Ltmp2:
0x31: {  	_ = 	snop;
	(pc) =	sbr.rel @p1 .LBB1_5-.Ltmp2, $1  }
0x32: {  	_ =	sdelay $0x3  }
0x33: {  	s16 =	simm.s32 $0x1  }
0x34: {  	_ =	swait.ge [sflag:s4], $0x800;
	s16 =	simm.s32 @!p0 $0x0  }
0x35: {  	[sflag:s4] =	ssyncset.done $0x0;
	s17 =	sshll.u32 s16, $0xB  }
0x36: {  	[sflag:s4] =	ssyncadd.s32 $0xFFFFF800;
	s17 =	sor.u32 $0x40, s17  }
0x37: {  	s16 =	smul.u32 $0x2200, s16;
	v0 =	vld [tilespmem:s17+$0x30]  }
0x38: {  	v1 =	vld [tilespmem:s17+$0xFFFFFFD0]  }
0x39: {  	s16 =	sshrl.u32 s16, $0x2;
	v5 =	vld [tilespmem:s17+$0xFFFFFFE0]  }
0x3a: {  	v6 =	vld [tilespmem:s17+$0xFFFFFFF0];
	s19 =	sor.u32 $0x1000, s16  }
0x3b: {  	s31 =	sand.u32 $0x1, s13;
	v4 =	vld [tilespmem:s17+$0x0];
	s18 =	sadd.s32 $0x0, s19  }
0x3c: {  	v3 =	vld [tilespmem:s17+$0x10];
	s16 =	smul.u32 $0x2200, s31;
	[tilespmem:s18+$0x770 ss:$0x11] =	vst.msk $0xffff, v0  }
0x3d: {  	v2 =	vld [tilespmem:s17+$0x20];
	[tilespmem:s18+$0x110 ss:$0x11] =	vst.msk $0xffff, v1  }
0x3e: {  	s16 =	sshrl.u32 s16, $0x2;
	v1 =	vld [tilespmem:s17+$0xFFFFFFC0];
	[tilespmem:s18+$0x220 ss:$0x11] =	vst.msk $0xffff, v5;
	s17 =	sadd.s32 $0x80, s17  }
0x3f: {  	s20 =	simm.s32 $0x4;
	s21 =	simm.s32 $0x8;
	s16 =	sor.u32 $0x1000, s16;
	[tilespmem:s18+$0x330 ss:$0x11] =	vst.msk $0xffff, v6;
	v0 =	vld [tilespmem:s17+$0x30]  }
.LBB1_3:
0x40: {  	p1 =	sne.s32 s21, $0x3C;
	v5 =	vld [tilespmem:s17+$0xFFFFFFD0];
	[tilespmem:s18+$0x440 ss:$0x11] =	vst.msk $0xffff, v4  }
0x41: {  	v6 =	vld [tilespmem:s17+$0xFFFFFFE0];
	[tilespmem:s18+$0x550 ss:$0x11] =	vst.msk $0xffff, v3  }
0x42: {  	s22 =	sshra.s32 s20, $0x2;
	s20 =	smov.u32 s21;
	v7 =	vld [tilespmem:s17+$0xFFFFFFF0];
	[tilespmem:s18+$0x660 ss:$0x11] =	vst.msk $0xffff, v2  }
.Ltmp3:
0x43: {  	v4 =	vld [tilespmem:s17+$0x0];
	[tilespmem:s18+$0x0 ss:$0x11] =	vst.msk $0xffff, v1;
	s18 =	sadd.s32 s22, s19;
	(pc) =	sbr.rel @p1 .LBB1_3-.Ltmp3, $4  }
0x44: {  	v3 =	vld [tilespmem:s17+$0x10];
	[tilespmem:s18+$0x770 ss:$0x11] =	vst.msk $0xffff, v0  }
0x45: {  	[tilespmem:s18+$0x110 ss:$0x11] =	vst.msk $0xffff, v5;
	v2 =	vld [tilespmem:s17+$0x20]  }
0x46: {  	v1 =	vld [tilespmem:s17+$0xFFFFFFC0];
	[tilespmem:s18+$0x220 ss:$0x11] =	vst.msk $0xffff, v6;
	s17 =	sadd.s32 $0x80, s17  }
0x47: {  	s21 =	sadd.s32 $0x4, s21;
	v0 =	vld [tilespmem:s17+$0x30];
	[tilespmem:s18+$0x330 ss:$0x11] =	vst.msk $0xffff, v7  }
0x48: {  	s21 =	sshll.u32 s9, $0x7;
	s22 =	sshll.u32 s10, $0x3;
	s20 =	sshra.s32 s20, $0x2  }
0x49: {  	p1 =	sgt.s32 s9, $0xF41C8;
	s30 =	sshra.s32 s9, $0x1F;
	s25 =	sshra.s32 s10, $0x1F  }
0x4a: {  	v5 =	vld [tilespmem:s17+$0xFFFFFFD0];
	s28 =	sshrl.u32 s10, $0x3;
	s23 =	sand.u32 $0xFFFFFC00, s21;
	s22 =	sand.u32 $0xFFFFFC00, s22  }
0x4b: {  	[tilespmem:s18+$0x440 ss:$0x11] =	vst.msk $0xffff, v4;
	v58 =	vld [tilespmem:s17+$0xFFFFFFE0];
	s21 =	sand.u32 $0x380, s21;
	s19 =	sadd.s32 s20, s19;
	s22 =	sadd.s32 s22, s23  }
0x4c: {  	v59 =	vld [tilespmem:s17+$0xFFFFFFF0];
	[tilespmem:s18+$0x550 ss:$0x11] =	vst.msk $0xffff, v3;
	s29 =	sor.u32 s21, s22;
	s21 =	smov.u32 s9;
	s22 =	sand.u32 s30, s9  }
0x4d: {  	v60 =	vld [tilespmem:s17+$0x0];
	[tilespmem:s18+$0x660 ss:$0x11] =	vst.msk $0xffff, v2;
	s30 =	sand.u32 $0x7, s10;
	s20 =	sshrl.u32 s29, $0x7;
	s21 =	simm.s32 @!p1 $0xF41C8  }
0x4e: {  	v61 =	vld [tilespmem:s17+$0x10];
	[tilespmem:s18+$0x0 ss:$0x11] =	vst.msk $0xffff, v1;
	p1 =	sgt.s32 s10, $0x70;
	s24 =	ssub.s32 s21, s22;
	s21 =	smov.u32 s10  }
0x4f: {  	v62 =	vld [tilespmem:s17+$0x20];
	[tilespmem:s19+$0x770 ss:$0x11] =	vst.msk $0xffff, v0;
	s31 =	smulhi.u32 $0x218DDDB, s20;
	s22 =	sand.u32 s25, s10;
	s21 =	simm.s32 @!p1 $0x70  }
0x50: {  	v63 =	vld [tilespmem:s17+$0xFFFFFFC0];
	[tilespmem:s19+$0x110 ss:$0x11] =	vst.msk $0xffff, v5;
	s26 =	sadd.s32 $0xFFF0BE38, s24;
	s17 =	ssub.s32 $0xF4248, s24;
	s21 =	ssub.s32 s21, s22  }
0x51: {  	[tilespmem:s19+$0x220 ss:$0x11] =	vst.msk $0xffff, v58;
	s23 =	sshrl.u32 s31, $0xD;
	p1 =	sgt.s32 s26, $0x7F;
	s27 =	sadd.s32 $0xFFFFFF90, s21  }
0x52: {  	[tilespmem:s19+$0x330 ss:$0x11] =	vst.msk $0xffff, v59;
	s23 =	smul.u32 $0xF4248, s23;
	s18 =	ssub.s32 $0x80, s21;
	p2 =	sgt.s32 s27, $0xF  }
.Ltmp4:
0x53: {  	[tilespmem:s19+$0x440 ss:$0x11] =	vst.msk $0xffff, v60;
	s17 =	simm.s32 @p1 $0x0;
	s18 =	simm.s32 @p2 $0x0;
	(pc) =	sbr.rel .LBB1_5-.Ltmp4, $4  }
0x54: {  	s29 =	sand.u32 $0xF, s28;
	[tilespmem:s19+$0x550 ss:$0x11] =	vst.msk $0xffff, v61;
	s20 =	ssub.s32 s20, s23;
	s17 =	smul.u32 s18, s17  }
0x55: {  	[tilespmem:s19+$0x660 ss:$0x11] =	vst.msk $0xffff, v62;
	s21 =	sshll.u32 s30, $0x12;
	s20 =	sshll.u32 s20, $0x4;
	s18 =	sadd.s32 s5, s29  }
0x56: {  	[tilespmem:s19+$0x0 ss:$0x11] =	vst.msk $0xffff, v63;
	s31 =	sor.u32 $0x10, s21;
	s18 =	sadd.s32 s20, s18;
	s17 =	sand.u32 $0x3FFFFFFF, s17  }
0x57: {  	[hbm4b:s18+s31] =	stream.strided.scatter [tilespmem:s16], [sflag:$0x2], s17, s8, s31, $0x8;
	[tilespmem:$0x2100] =	vst v63  }
.LBB1_6:
0x58: {  	_ =	sfence.sel $0x180000  }
0x59: {  	s2 =	simm.s32 $0x1;
	[bflag:$0x0] =	sbarrier.arrive $0xFFFF  }
0x5a: {  	s31 =	simm.s32 $0x2;
	[sflag:s2] =	ssyncpa.u1 $0x1  }
0x5b: {  	[sflag:s31] =	ssyncpa.u1 $0x1  }
0x5c: {  	p0 =	sne.s32 s1, $0x0;
	_ =	strace $0x9000004A  }
0x5d: {  	s0 =	sadd.s32 @!p0 $0x100000, s0;
	[bflag:$0x2] =	sbarrier.arrive $0xFFFF  }
0x5e: {  	[sflag:s0] =	ssyncadd.tile.s32 @!p0 $0x1;
	_ =	shalt  }
.Lfunc_end1:
_tile_overlayer_lowered:
.L_overlay_start_2:
0x5f: {  	(tag) =	ssettag $0x2  }
0x60: {  	s0 =	rddreg [dreg:$0x0];
	s2 =	stileid.u32  }
0x61: {  	s1 =	rddreg [dreg:$0x1];
	p0 =	sne.s32 s2, $0x0  }
0x62: {  	s3 =	rddreg [dreg:$0x2];
	[bflag:$0x3] =	sbarrier.arrive $0xFFFF;
	s2 =	simm.s32 @!p0 $0x1C01  }
0x63: {  	[timem:s3], [sflag:s2] =	dma.local @!p0 [hbm:s0], s1  }
0x64: {  	s0 =	simm.s32 @!p0 $0x1  }
0x65: {  	_ =	swait.ge @!p0 [sflag:s0], s1  }
0x66: {  	s1 =	ssub.s32 @!p0 $0x0, s1;
	[sflag:s0] =	ssyncset.done @!p0 $0x0  }
0x67: {  	[sflag:s0] =	ssyncadd.s32 @!p0 s1  }
0x68: {  	[bflag:$0x3] =	sbarrier.arrive $0xFFFF  }
0x69: {  	_ =	shalt  }

</sc_bundles>
